<compile_context>
chip_gen: v7x
topology: tpu7x:2x2x1
jax: 0.10.2.dev20260603
libtpu: 0.0.44.dev20260713+nightly
codegen_flags: <defaults>
</compile_context>

<pallas_src>
import functools

import jax
import jax.numpy as jnp
from jax import lax
from jax.experimental import pallas as pl
from jax.experimental.pallas import tpu as pltpu
from jax.experimental.pallas import tpu_sc as plsc

_LN2 = 0.6931471805599453

_B = 16384
_L = 16
_NC, _NS = 2, 16
_NW = _NC * _NS
_BPW = _B // _NW
_GCHUNK = 128
_NG = _BPW // _GCHUNK


@functools.partial(
    pl.kernel,
    out_type=jax.ShapeDtypeStruct((_B // _GCHUNK, _GCHUNK), jnp.float32),
    mesh=plsc.VectorSubcoreMesh(core_axis_name="c", subcore_axis_name="s"),
    scratch_types=[
        pltpu.VMEM((_NG, _GCHUNK), jnp.int32),
        pltpu.VMEM((_NG, _GCHUNK), jnp.float32),
        pltpu.VMEM((1,), jnp.int32),
        pltpu.VMEM((_L,), jnp.float32),
        pltpu.SemaphoreType.DMA,
        pltpu.SemaphoreType.DMA,
        pltpu.SemaphoreType.DMA,
        pltpu.SemaphoreType.DMA,
    ],
)
def _gain_lookup(x_hbm, nidx_hbm, w_hbm, out_hbm,
                 idx_v, rows_v, nidx_v, nval_v,
                 sem_i, sem_n, sem_g, sem_o):
    wid = lax.axis_index("s") * _NC + lax.axis_index("c")
    base = wid * _NG

    ca = pltpu.async_copy(x_hbm.at[pl.ds(base, _NG)], idx_v, sem_i)
    cb = pltpu.async_copy(nidx_hbm, nidx_v, sem_n)
    cb.wait()
    nc = pltpu.async_copy(w_hbm.at[nidx_v], nval_v.at[pl.ds(0, 1)], sem_n)
    ca.wait()
    gathers = [
        pltpu.async_copy(w_hbm.at[idx_v.at[j]], rows_v.at[j], sem_g)
        for j in range(_NG)
    ]
    nc.wait()
    nv = nval_v[...]
    n16 = jnp.full((_L,), nv[0], jnp.float32)
    for g in gathers:
        g.wait()

    for j in range(_NG):
        for i in range(_GCHUNK // _L):
            s = pl.ds(i * _L, _L)
            rows_v[j, s] = jnp.exp((rows_v[j, s] - n16) * _LN2)

    pltpu.async_copy(rows_v, out_hbm.at[pl.ds(base, _NG)], sem_o).wait()


def kernel(x, neutral_idx, W):
    w_flat = W.reshape(W.shape[0])
    nidx = jnp.asarray(neutral_idx, jnp.int32).reshape(1)
    x2 = x.astype(jnp.int32).reshape(_B // _GCHUNK, _GCHUNK)
    out = _gain_lookup(x2, nidx, w_flat)
    return out.reshape(_B, 1)

# --- scband reference (transcript-rebuilt; emitter-appended) ---
"""Pipeline reference for scband-gain-table-40802189312140 (READ-ONLY COPY).

The authoritative reference and input builder live on the scoring server;
editing this copy changes nothing except your own understanding.
"""

import jax, jax.numpy as jnp
import numpy as np

NUM_IMAGES = 100000
BATCH = 16384

def setup_inputs(seed: int = 0) -> dict:
    key = jax.random.key(seed)
    k1, k2 = jax.random.split(key)
    x = jax.random.randint(k1, (BATCH,), 0, NUM_IMAGES, dtype=jnp.int64 if jax.config.jax_enable_x64 else jnp.int32)
    # learned gain table [num_images, 1]; module inits to 0 but we use small random
    # values so the computation is non-degenerate
    W = jax.random.normal(k2, (NUM_IMAGES, 1), dtype=jnp.float32) * 0.1
    neutral_idx = 500  # scalar index into the table
    return {"x": x, "neutral_idx": neutral_idx, "W": W}

def reference(x, neutral_idx, W):
    # neutral_gain = table(neutral_idx) -> shape [1]
    neutral_gain = jnp.take(W, jnp.asarray(neutral_idx), axis=0)
    # table_result = table(x) - neutral_gain -> shape [BATCH, 1]
    table_result = jnp.take(W, x, axis=0) - neutral_gain
    return jnp.power(jnp.float32(2.0), table_result).astype(jnp.float32)

if __name__ == "__main__":
    import jax
    _d = setup_inputs()
    print(jax.jit(kernel)(*tuple(_d.values())))

</pallas_src>

<mosaic_0001>
#map = affine_map<(d0, d1) -> (0, 0)>
#map1 = affine_map<(d0, d1) -> (0)>
module attributes {stable_mosaic.version = 14 : i64} {
  func.func @_gain_lookup(%arg0: i32, %arg1: i32, %arg2: memref<128x128xi32, #tpu.memory_space<hbm>>, %arg3: memref<1xi32, #tpu.memory_space<hbm>>, %arg4: memref<100000xf32, #tpu.memory_space<hbm>>, %arg5: memref<128x128xf32, #tpu.memory_space<hbm>>, %arg6: memref<4x128xi32, #tpu.memory_space<vmem>>, %arg7: memref<4x128xf32, #tpu.memory_space<vmem>>, %arg8: memref<1xi32, #tpu.memory_space<vmem>>, %arg9: memref<16xf32, #tpu.memory_space<vmem>>, %arg10: memref<!tpu.dma_semaphore, #tpu.memory_space<semaphore_mem>>, %arg11: memref<!tpu.dma_semaphore, #tpu.memory_space<semaphore_mem>>, %arg12: memref<!tpu.dma_semaphore, #tpu.memory_space<semaphore_mem>>, %arg13: memref<!tpu.dma_semaphore, #tpu.memory_space<semaphore_mem>>) attributes {dimension_semantics = [#tpu.dimension_semantics<core_parallel>, #tpu.dimension_semantics<subcore_parallel>], iteration_bounds = array<i64: 2, 16>, scalar_prefetch = 0 : i64, scratch_operands = 8 : i64, tpu.core_type = #tpu.core_type<sc_vector_subcore>, window_params = [{transform_indices = #map}, {transform_indices = #map1}, {transform_indices = #map1}, {transform_indices = #map}]} {
    %mul3A = arith.constant 2 : i32
    %mul3A_0 = arith.muli %arg1, %mul3A : i32
    %add3A = arith.addi %mul3A_0, %arg0 : i32
    %mul3A_1 = arith.constant 4 : i32
    %mul3A_2 = arith.muli %add3A, %mul3A_1 : i32
    %dma_start3A = arith.constant 0 : i32
    %dma_start3A_3 = tpu.memref_slice %arg2[%mul3A_2, %dma_start3A] : memref<128x128xi32, #tpu.memory_space<hbm>> -> memref<4x128xi32, #tpu.memory_space<hbm>>
    %dma_start3A_4 = arith.constant 0 : i32
    %dma_start3A_5 = tpu.memref_slice %arg2[%mul3A_2, %dma_start3A_4] : memref<128x128xi32, #tpu.memory_space<hbm>> -> memref<4x128xi32, #tpu.memory_space<hbm>>
    tpu.enqueue_dma source(%dma_start3A_5 : memref<4x128xi32, #tpu.memory_space<hbm>>) target(%arg6 : memref<4x128xi32, #tpu.memory_space<vmem>>) target_semaphore(%arg10 : memref<!tpu.dma_semaphore, #tpu.memory_space<semaphore_mem>>)
    tpu.enqueue_dma source(%arg3 : memref<1xi32, #tpu.memory_space<hbm>>) target(%arg8 : memref<1xi32, #tpu.memory_space<vmem>>) target_semaphore(%arg11 : memref<!tpu.dma_semaphore, #tpu.memory_space<semaphore_mem>>)
    tpu.wait_dma2 semaphore(%arg11 : memref<!tpu.dma_semaphore, #tpu.memory_space<semaphore_mem>>) src(%arg3 : memref<1xi32, #tpu.memory_space<hbm>>) dst(%arg8 : memref<1xi32, #tpu.memory_space<vmem>>)
    %dma_start3A_6 = arith.constant 0 : i32
    %dma_start3A_7 = tpu.memref_slice %arg9[%dma_start3A_6] : memref<16xf32, #tpu.memory_space<vmem>> -> memref<1xf32, #tpu.memory_space<vmem>>
    %dma_start3A_8 = arith.constant 0 : i32
    %dma_start3A_9 = tpu.memref_slice %arg4[%dma_start3A_8] : memref<100000xf32, #tpu.memory_space<hbm>> -> memref<100000xf32, #tpu.memory_space<hbm>>
    tpu.enqueue_indirect_dma source(%dma_start3A_9 : memref<100000xf32, #tpu.memory_space<hbm>>) target(%dma_start3A_7 : memref<1xf32, #tpu.memory_space<vmem>>) offsets(%arg8 : memref<1xi32, #tpu.memory_space<vmem>>) semaphore(%arg11 : memref<!tpu.dma_semaphore, #tpu.memory_space<semaphore_mem>>)
    %dma_wait3A = arith.constant 0 : i32
    %dma_wait3A_10 = tpu.memref_slice %arg2[%mul3A_2, %dma_wait3A] : memref<128x128xi32, #tpu.memory_space<hbm>> -> memref<4x128xi32, #tpu.memory_space<hbm>>
    %dma_wait3A_11 = arith.constant 0 : i32
    %dma_wait3A_12 = tpu.memref_slice %arg2[%mul3A_2, %dma_wait3A_11] : memref<128x128xi32, #tpu.memory_space<hbm>> -> memref<4x128xi32, #tpu.memory_space<hbm>>
    tpu.wait_dma2 semaphore(%arg10 : memref<!tpu.dma_semaphore, #tpu.memory_space<semaphore_mem>>) src(%dma_wait3A_12 : memref<4x128xi32, #tpu.memory_space<hbm>>) dst(%arg6 : memref<4x128xi32, #tpu.memory_space<vmem>>)
    %dma_start3A_13 = arith.constant 0 : i32
    %dma_start3A_14 = arith.constant 0 : i32
    %dma_start3A_15 = arith.constant 0 : i32
    %dma_start3A_16 = tpu.memref_slice %arg7[%dma_start3A_14, %dma_start3A_15] : memref<4x128xf32, #tpu.memory_space<vmem>> -> memref<1x128xf32, #tpu.memory_space<vmem>>
    %dma_start3A_17 = tpu.memref_squeeze %dma_start3A_16 : memref<1x128xf32, #tpu.memory_space<vmem>> -> memref<128xf32, #tpu.memory_space<vmem>>
    %dma_start3A_18 = arith.constant 0 : i32
    %dma_start3A_19 = tpu.memref_slice %arg6[%dma_start3A_13, %dma_start3A_18] : memref<4x128xi32, #tpu.memory_space<vmem>> -> memref<1x128xi32, #tpu.memory_space<vmem>>
    %dma_start3A_20 = tpu.memref_squeeze %dma_start3A_19 : memref<1x128xi32, #tpu.memory_space<vmem>> -> memref<128xi32, #tpu.memory_space<vmem>>
    %dma_start3A_21 = arith.constant 0 : i32
    %dma_start3A_22 = tpu.memref_slice %arg4[%dma_start3A_21] : memref<100000xf32, #tpu.memory_space<hbm>> -> memref<100000xf32, #tpu.memory_space<hbm>>
    tpu.enqueue_indirect_dma source(%dma_start3A_22 : memref<100000xf32, #tpu.memory_space<hbm>>) target(%dma_start3A_17 : memref<128xf32, #tpu.memory_space<vmem>>) offsets(%dma_start3A_20 : memref<128xi32, #tpu.memory_space<vmem>>) semaphore(%arg12 : memref<!tpu.dma_semaphore, #tpu.memory_space<semaphore_mem>>)
    %dma_start3A_23 = arith.constant 1 : i32
    %dma_start3A_24 = arith.constant 1 : i32
    %dma_start3A_25 = arith.constant 0 : i32
    %dma_start3A_26 = tpu.memref_slice %arg7[%dma_start3A_24, %dma_start3A_25] : memref<4x128xf32, #tpu.memory_space<vmem>> -> memref<1x128xf32, #tpu.memory_space<vmem>>
    %dma_start3A_27 = tpu.memref_squeeze %dma_start3A_26 : memref<1x128xf32, #tpu.memory_space<vmem>> -> memref<128xf32, #tpu.memory_space<vmem>>
    %dma_start3A_28 = arith.constant 0 : i32
    %dma_start3A_29 = tpu.memref_slice %arg6[%dma_start3A_23, %dma_start3A_28] : memref<4x128xi32, #tpu.memory_space<vmem>> -> memref<1x128xi32, #tpu.memory_space<vmem>>
    %dma_start3A_30 = tpu.memref_squeeze %dma_start3A_29 : memref<1x128xi32, #tpu.memory_space<vmem>> -> memref<128xi32, #tpu.memory_space<vmem>>
    %dma_start3A_31 = arith.constant 0 : i32
    %dma_start3A_32 = tpu.memref_slice %arg4[%dma_start3A_31] : memref<100000xf32, #tpu.memory_space<hbm>> -> memref<100000xf32, #tpu.memory_space<hbm>>
    tpu.enqueue_indirect_dma source(%dma_start3A_32 : memref<100000xf32, #tpu.memory_space<hbm>>) target(%dma_start3A_27 : memref<128xf32, #tpu.memory_space<vmem>>) offsets(%dma_start3A_30 : memref<128xi32, #tpu.memory_space<vmem>>) semaphore(%arg12 : memref<!tpu.dma_semaphore, #tpu.memory_space<semaphore_mem>>)
    %dma_start3A_33 = arith.constant 2 : i32
    %dma_start3A_34 = arith.constant 2 : i32
    %dma_start3A_35 = arith.constant 0 : i32
    %dma_start3A_36 = tpu.memref_slice %arg7[%dma_start3A_34, %dma_start3A_35] : memref<4x128xf32, #tpu.memory_space<vmem>> -> memref<1x128xf32, #tpu.memory_space<vmem>>
    %dma_start3A_37 = tpu.memref_squeeze %dma_start3A_36 : memref<1x128xf32, #tpu.memory_space<vmem>> -> memref<128xf32, #tpu.memory_space<vmem>>
    %dma_start3A_38 = arith.constant 0 : i32
    %dma_start3A_39 = tpu.memref_slice %arg6[%dma_start3A_33, %dma_start3A_38] : memref<4x128xi32, #tpu.memory_space<vmem>> -> memref<1x128xi32, #tpu.memory_space<vmem>>
    %dma_start3A_40 = tpu.memref_squeeze %dma_start3A_39 : memref<1x128xi32, #tpu.memory_space<vmem>> -> memref<128xi32, #tpu.memory_space<vmem>>
    %dma_start3A_41 = arith.constant 0 : i32
    %dma_start3A_42 = tpu.memref_slice %arg4[%dma_start3A_41] : memref<100000xf32, #tpu.memory_space<hbm>> -> memref<100000xf32, #tpu.memory_space<hbm>>
    tpu.enqueue_indirect_dma source(%dma_start3A_42 : memref<100000xf32, #tpu.memory_space<hbm>>) target(%dma_start3A_37 : memref<128xf32, #tpu.memory_space<vmem>>) offsets(%dma_start3A_40 : memref<128xi32, #tpu.memory_space<vmem>>) semaphore(%arg12 : memref<!tpu.dma_semaphore, #tpu.memory_space<semaphore_mem>>)
    %dma_start3A_43 = arith.constant 3 : i32
    %dma_start3A_44 = arith.constant 3 : i32
    %dma_start3A_45 = arith.constant 0 : i32
    %dma_start3A_46 = tpu.memref_slice %arg7[%dma_start3A_44, %dma_start3A_45] : memref<4x128xf32, #tpu.memory_space<vmem>> -> memref<1x128xf32, #tpu.memory_space<vmem>>
    %dma_start3A_47 = tpu.memref_squeeze %dma_start3A_46 : memref<1x128xf32, #tpu.memory_space<vmem>> -> memref<128xf32, #tpu.memory_space<vmem>>
    %dma_start3A_48 = arith.constant 0 : i32
    %dma_start3A_49 = tpu.memref_slice %arg6[%dma_start3A_43, %dma_start3A_48] : memref<4x128xi32, #tpu.memory_space<vmem>> -> memref<1x128xi32, #tpu.memory_space<vmem>>
    %dma_start3A_50 = tpu.memref_squeeze %dma_start3A_49 : memref<1x128xi32, #tpu.memory_space<vmem>> -> memref<128xi32, #tpu.memory_space<vmem>>
    %dma_start3A_51 = arith.constant 0 : i32
    %dma_start3A_52 = tpu.memref_slice %arg4[%dma_start3A_51] : memref<100000xf32, #tpu.memory_space<hbm>> -> memref<100000xf32, #tpu.memory_space<hbm>>
    tpu.enqueue_indirect_dma source(%dma_start3A_52 : memref<100000xf32, #tpu.memory_space<hbm>>) target(%dma_start3A_47 : memref<128xf32, #tpu.memory_space<vmem>>) offsets(%dma_start3A_50 : memref<128xi32, #tpu.memory_space<vmem>>) semaphore(%arg12 : memref<!tpu.dma_semaphore, #tpu.memory_space<semaphore_mem>>)
    %dma_wait3A_53 = arith.constant 0 : i32
    %dma_wait3A_54 = tpu.memref_slice %arg9[%dma_wait3A_53] : memref<16xf32, #tpu.memory_space<vmem>> -> memref<1xf32, #tpu.memory_space<vmem>>
    %dma_wait3A_55 = arith.constant 0 : i32
    %dma_wait3A_56 = tpu.memref_slice %arg4[%dma_wait3A_55] : memref<100000xf32, #tpu.memory_space<hbm>> -> memref<100000xf32, #tpu.memory_space<hbm>>
    tpu.wait_indirect_dma semaphore(%arg11 : memref<!tpu.dma_semaphore, #tpu.memory_space<semaphore_mem>>) src(%dma_wait3A_56 : memref<100000xf32, #tpu.memory_space<hbm>>) dst(%dma_wait3A_54 : memref<1xf32, #tpu.memory_space<vmem>>)
    %get3A = arith.constant 0 : index
    %get3A_57 = tpu.vector_load %arg9[%get3A] {strides = array<i32>} : memref<16xf32, #tpu.memory_space<vmem>>, vector<16xf32>,
    %get3A_58 = vector.shape_cast %get3A_57 : vector<16xf32> to vector<16xf32>
    %slice3A = vector.extract_strided_slice %get3A_58 {offsets = [0], sizes = [1], strides = [1]} : vector<16xf32> to vector<1xf32>
    %squeeze3A = vector.extract %slice3A[0] : f32 from vector<1xf32>
    %broadcast_in_dim3A = vector.broadcast %squeeze3A : f32 to vector<16xf32>
    %dma_wait3A_59 = arith.constant 0 : i32
    %dma_wait3A_60 = arith.constant 0 : i32
    %dma_wait3A_61 = arith.constant 0 : i32
    %dma_wait3A_62 = tpu.memref_slice %arg7[%dma_wait3A_60, %dma_wait3A_61] : memref<4x128xf32, #tpu.memory_space<vmem>> -> memref<1x128xf32, #tpu.memory_space<vmem>>
    %dma_wait3A_63 = tpu.memref_squeeze %dma_wait3A_62 : memref<1x128xf32, #tpu.memory_space<vmem>> -> memref<128xf32, #tpu.memory_space<vmem>>
    %dma_wait3A_64 = arith.constant 0 : i32
    %dma_wait3A_65 = tpu.memref_slice %arg6[%dma_wait3A_59, %dma_wait3A_64] : memref<4x128xi32, #tpu.memory_space<vmem>> -> memref<1x128xi32, #tpu.memory_space<vmem>>
    %dma_wait3A_66 = tpu.memref_squeeze %dma_wait3A_65 : memref<1x128xi32, #tpu.memory_space<vmem>> -> memref<128xi32, #tpu.memory_space<vmem>>
    %dma_wait3A_67 = arith.constant 0 : i32
    %dma_wait3A_68 = tpu.memref_slice %arg4[%dma_wait3A_67] : memref<100000xf32, #tpu.memory_space<hbm>> -> memref<100000xf32, #tpu.memory_space<hbm>>
    tpu.wait_indirect_dma semaphore(%arg12 : memref<!tpu.dma_semaphore, #tpu.memory_space<semaphore_mem>>) src(%dma_wait3A_68 : memref<100000xf32, #tpu.memory_space<hbm>>) dst(%dma_wait3A_63 : memref<128xf32, #tpu.memory_space<vmem>>)
    %dma_wait3A_69 = arith.constant 1 : i32
    %dma_wait3A_70 = arith.constant 1 : i32
    %dma_wait3A_71 = arith.constant 0 : i32
    %dma_wait3A_72 = tpu.memref_slice %arg7[%dma_wait3A_70, %dma_wait3A_71] : memref<4x128xf32, #tpu.memory_space<vmem>> -> memref<1x128xf32, #tpu.memory_space<vmem>>
    %dma_wait3A_73 = tpu.memref_squeeze %dma_wait3A_72 : memref<1x128xf32, #tpu.memory_space<vmem>> -> memref<128xf32, #tpu.memory_space<vmem>>
    %dma_wait3A_74 = arith.constant 0 : i32
    %dma_wait3A_75 = tpu.memref_slice %arg6[%dma_wait3A_69, %dma_wait3A_74] : memref<4x128xi32, #tpu.memory_space<vmem>> -> memref<1x128xi32, #tpu.memory_space<vmem>>
    %dma_wait3A_76 = tpu.memref_squeeze %dma_wait3A_75 : memref<1x128xi32, #tpu.memory_space<vmem>> -> memref<128xi32, #tpu.memory_space<vmem>>
    %dma_wait3A_77 = arith.constant 0 : i32
    %dma_wait3A_78 = tpu.memref_slice %arg4[%dma_wait3A_77] : memref<100000xf32, #tpu.memory_space<hbm>> -> memref<100000xf32, #tpu.memory_space<hbm>>
    tpu.wait_indirect_dma semaphore(%arg12 : memref<!tpu.dma_semaphore, #tpu.memory_space<semaphore_mem>>) src(%dma_wait3A_78 : memref<100000xf32, #tpu.memory_space<hbm>>) dst(%dma_wait3A_73 : memref<128xf32, #tpu.memory_space<vmem>>)
    %dma_wait3A_79 = arith.constant 2 : i32
    %dma_wait3A_80 = arith.constant 2 : i32
    %dma_wait3A_81 = arith.constant 0 : i32
    %dma_wait3A_82 = tpu.memref_slice %arg7[%dma_wait3A_80, %dma_wait3A_81] : memref<4x128xf32, #tpu.memory_space<vmem>> -> memref<1x128xf32, #tpu.memory_space<vmem>>
    %dma_wait3A_83 = tpu.memref_squeeze %dma_wait3A_82 : memref<1x128xf32, #tpu.memory_space<vmem>> -> memref<128xf32, #tpu.memory_space<vmem>>
    %dma_wait3A_84 = arith.constant 0 : i32
    %dma_wait3A_85 = tpu.memref_slice %arg6[%dma_wait3A_79, %dma_wait3A_84] : memref<4x128xi32, #tpu.memory_space<vmem>> -> memref<1x128xi32, #tpu.memory_space<vmem>>
    %dma_wait3A_86 = tpu.memref_squeeze %dma_wait3A_85 : memref<1x128xi32, #tpu.memory_space<vmem>> -> memref<128xi32, #tpu.memory_space<vmem>>
    %dma_wait3A_87 = arith.constant 0 : i32
    %dma_wait3A_88 = tpu.memref_slice %arg4[%dma_wait3A_87] : memref<100000xf32, #tpu.memory_space<hbm>> -> memref<100000xf32, #tpu.memory_space<hbm>>
    tpu.wait_indirect_dma semaphore(%arg12 : memref<!tpu.dma_semaphore, #tpu.memory_space<semaphore_mem>>) src(%dma_wait3A_88 : memref<100000xf32, #tpu.memory_space<hbm>>) dst(%dma_wait3A_83 : memref<128xf32, #tpu.memory_space<vmem>>)
    %dma_wait3A_89 = arith.constant 3 : i32
    %dma_wait3A_90 = arith.constant 3 : i32
    %dma_wait3A_91 = arith.constant 0 : i32
    %dma_wait3A_92 = tpu.memref_slice %arg7[%dma_wait3A_90, %dma_wait3A_91] : memref<4x128xf32, #tpu.memory_space<vmem>> -> memref<1x128xf32, #tpu.memory_space<vmem>>
    %dma_wait3A_93 = tpu.memref_squeeze %dma_wait3A_92 : memref<1x128xf32, #tpu.memory_space<vmem>> -> memref<128xf32, #tpu.memory_space<vmem>>
    %dma_wait3A_94 = arith.constant 0 : i32
    %dma_wait3A_95 = tpu.memref_slice %arg6[%dma_wait3A_89, %dma_wait3A_94] : memref<4x128xi32, #tpu.memory_space<vmem>> -> memref<1x128xi32, #tpu.memory_space<vmem>>
    %dma_wait3A_96 = tpu.memref_squeeze %dma_wait3A_95 : memref<1x128xi32, #tpu.memory_space<vmem>> -> memref<128xi32, #tpu.memory_space<vmem>>
    %dma_wait3A_97 = arith.constant 0 : i32
    %dma_wait3A_98 = tpu.memref_slice %arg4[%dma_wait3A_97] : memref<100000xf32, #tpu.memory_space<hbm>> -> memref<100000xf32, #tpu.memory_space<hbm>>
    tpu.wait_indirect_dma semaphore(%arg12 : memref<!tpu.dma_semaphore, #tpu.memory_space<semaphore_mem>>) src(%dma_wait3A_98 : memref<100000xf32, #tpu.memory_space<hbm>>) dst(%dma_wait3A_93 : memref<128xf32, #tpu.memory_space<vmem>>)
    %get3A_99 = arith.constant 0 : i32
    %get3A_100 = arith.index_cast %get3A_99 : i32 to index
    %get3A_101 = arith.constant 0 : index
    %get3A_102 = tpu.vector_load %arg7[%get3A_100, %get3A_101] {strides = array<i32>} : memref<4x128xf32, #tpu.memory_space<vmem>>, vector<1x16xf32>,
    %get3A_103 = vector.shape_cast %get3A_102 : vector<1x16xf32> to vector<16xf32>
    %sub3A = arith.subf %get3A_103, %broadcast_in_dim3A : vector<16xf32>
    %mul3A_104 = arith.constant 0.693147182 : f32
    %mul3A_105 = vector.broadcast %mul3A_104 : f32 to vector<16xf32>
    %mul3A_106 = arith.mulf %sub3A, %mul3A_105 : vector<16xf32>
    %exp3A = math.exp %mul3A_106 : vector<16xf32>
    %swap3A = arith.constant 0 : i32
    %swap3A_107 = arith.index_cast %swap3A : i32 to index
    %swap3A_108 = arith.constant 0 : index
    %swap3A_109 = tpu.vector_load %arg7[%swap3A_107, %swap3A_108] {strides = array<i32>} : memref<4x128xf32, #tpu.memory_space<vmem>>, vector<1x16xf32>,
    %swap3A_110 = vector.shape_cast %swap3A_109 : vector<1x16xf32> to vector<16xf32>
    %swap3A_111 = vector.shape_cast %exp3A : vector<16xf32> to vector<1x16xf32>
    tpu.vector_store %arg7[%swap3A_107, %swap3A_108], %swap3A_111 {strides = array<i32>} : memref<4x128xf32, #tpu.memory_space<vmem>>, vector<1x16xf32>,
    %get3A_112 = arith.constant 0 : i32
    %get3A_113 = arith.index_cast %get3A_112 : i32 to index
    %get3A_114 = arith.constant 16 : index
    %get3A_115 = tpu.vector_load %arg7[%get3A_113, %get3A_114] {strides = array<i32>} : memref<4x128xf32, #tpu.memory_space<vmem>>, vector<1x16xf32>,
    %get3A_116 = vector.shape_cast %get3A_115 : vector<1x16xf32> to vector<16xf32>
    %sub3A_117 = arith.subf %get3A_116, %broadcast_in_dim3A : vector<16xf32>
    %mul3A_118 = arith.constant 0.693147182 : f32
    %mul3A_119 = vector.broadcast %mul3A_118 : f32 to vector<16xf32>
    %mul3A_120 = arith.mulf %sub3A_117, %mul3A_119 : vector<16xf32>
    %exp3A_121 = math.exp %mul3A_120 : vector<16xf32>
    %swap3A_122 = arith.constant 0 : i32
    %swap3A_123 = arith.index_cast %swap3A_122 : i32 to index
    %swap3A_124 = arith.constant 16 : index
    %swap3A_125 = tpu.vector_load %arg7[%swap3A_123, %swap3A_124] {strides = array<i32>} : memref<4x128xf32, #tpu.memory_space<vmem>>, vector<1x16xf32>,
    %swap3A_126 = vector.shape_cast %swap3A_125 : vector<1x16xf32> to vector<16xf32>
    %swap3A_127 = vector.shape_cast %exp3A_121 : vector<16xf32> to vector<1x16xf32>
    tpu.vector_store %arg7[%swap3A_123, %swap3A_124], %swap3A_127 {strides = array<i32>} : memref<4x128xf32, #tpu.memory_space<vmem>>, vector<1x16xf32>,
    %get3A_128 = arith.constant 0 : i32
    %get3A_129 = arith.index_cast %get3A_128 : i32 to index
    %get3A_130 = arith.constant 32 : index
    %get3A_131 = tpu.vector_load %arg7[%get3A_129, %get3A_130] {strides = array<i32>} : memref<4x128xf32, #tpu.memory_space<vmem>>, vector<1x16xf32>,
    %get3A_132 = vector.shape_cast %get3A_131 : vector<1x16xf32> to vector<16xf32>
    %sub3A_133 = arith.subf %get3A_132, %broadcast_in_dim3A : vector<16xf32>
    %mul3A_134 = arith.constant 0.693147182 : f32
    %mul3A_135 = vector.broadcast %mul3A_134 : f32 to vector<16xf32>
    %mul3A_136 = arith.mulf %sub3A_133, %mul3A_135 : vector<16xf32>
    %exp3A_137 = math.exp %mul3A_136 : vector<16xf32>
    %swap3A_138 = arith.constant 0 : i32
    %swap3A_139 = arith.index_cast %swap3A_138 : i32 to index
    %swap3A_140 = arith.constant 32 : index
    %swap3A_141 = tpu.vector_load %arg7[%swap3A_139, %swap3A_140] {strides = array<i32>} : memref<4x128xf32, #tpu.memory_space<vmem>>, vector<1x16xf32>,
    %swap3A_142 = vector.shape_cast %swap3A_141 : vector<1x16xf32> to vector<16xf32>
    %swap3A_143 = vector.shape_cast %exp3A_137 : vector<16xf32> to vector<1x16xf32>
    tpu.vector_store %arg7[%swap3A_139, %swap3A_140], %swap3A_143 {strides = array<i32>} : memref<4x128xf32, #tpu.memory_space<vmem>>, vector<1x16xf32>,
    %get3A_144 = arith.constant 0 : i32
    %get3A_145 = arith.index_cast %get3A_144 : i32 to index
    %get3A_146 = arith.constant 48 : index
    %get3A_147 = tpu.vector_load %arg7[%get3A_145, %get3A_146] {strides = array<i32>} : memref<4x128xf32, #tpu.memory_space<vmem>>, vector<1x16xf32>,
    %get3A_148 = vector.shape_cast %get3A_147 : vector<1x16xf32> to vector<16xf32>
    %sub3A_149 = arith.subf %get3A_148, %broadcast_in_dim3A : vector<16xf32>
    %mul3A_150 = arith.constant 0.693147182 : f32
    %mul3A_151 = vector.broadcast %mul3A_150 : f32 to vector<16xf32>
    %mul3A_152 = arith.mulf %sub3A_149, %mul3A_151 : vector<16xf32>
    %exp3A_153 = math.exp %mul3A_152 : vector<16xf32>
    %swap3A_154 = arith.constant 0 : i32
    %swap3A_155 = arith.index_cast %swap3A_154 : i32 to index
    %swap3A_156 = arith.constant 48 : index
    %swap3A_157 = tpu.vector_load %arg7[%swap3A_155, %swap3A_156] {strides = array<i32>} : memref<4x128xf32, #tpu.memory_space<vmem>>, vector<1x16xf32>,
    %swap3A_158 = vector.shape_cast %swap3A_157 : vector<1x16xf32> to vector<16xf32>
    %swap3A_159 = vector.shape_cast %exp3A_153 : vector<16xf32> to vector<1x16xf32>
    tpu.vector_store %arg7[%swap3A_155, %swap3A_156], %swap3A_159 {strides = array<i32>} : memref<4x128xf32, #tpu.memory_space<vmem>>, vector<1x16xf32>,
    %get3A_160 = arith.constant 0 : i32
    %get3A_161 = arith.index_cast %get3A_160 : i32 to index
    %get3A_162 = arith.constant 64 : index
    %get3A_163 = tpu.vector_load %arg7[%get3A_161, %get3A_162] {strides = array<i32>} : memref<4x128xf32, #tpu.memory_space<vmem>>, vector<1x16xf32>,
    %get3A_164 = vector.shape_cast %get3A_163 : vector<1x16xf32> to vector<16xf32>
    %sub3A_165 = arith.subf %get3A_164, %broadcast_in_dim3A : vector<16xf32>
    %mul3A_166 = arith.constant 0.693147182 : f32
    %mul3A_167 = vector.broadcast %mul3A_166 : f32 to vector<16xf32>
    %mul3A_168 = arith.mulf %sub3A_165, %mul3A_167 : vector<16xf32>
    %exp3A_169 = math.exp %mul3A_168 : vector<16xf32>
    %swap3A_170 = arith.constant 0 : i32
    %swap3A_171 = arith.index_cast %swap3A_170 : i32 to index
    %swap3A_172 = arith.constant 64 : index
    %swap3A_173 = tpu.vector_load %arg7[%swap3A_171, %swap3A_172] {strides = array<i32>} : memref<4x128xf32, #tpu.memory_space<vmem>>, vector<1x16xf32>,
    %swap3A_174 = vector.shape_cast %swap3A_173 : vector<1x16xf32> to vector<16xf32>
    %swap3A_175 = vector.shape_cast %exp3A_169 : vector<16xf32> to vector<1x16xf32>
    tpu.vector_store %arg7[%swap3A_171, %swap3A_172], %swap3A_175 {strides = array<i32>} : memref<4x128xf32, #tpu.memory_space<vmem>>, vector<1x16xf32>,
    %get3A_176 = arith.constant 0 : i32
    %get3A_177 = arith.index_cast %get3A_176 : i32 to index
    %get3A_178 = arith.constant 80 : index
    %get3A_179 = tpu.vector_load %arg7[%get3A_177, %get3A_178] {strides = array<i32>} : memref<4x128xf32, #tpu.memory_space<vmem>>, vector<1x16xf32>,
    %get3A_180 = vector.shape_cast %get3A_179 : vector<1x16xf32> to vector<16xf32>
    %sub3A_181 = arith.subf %get3A_180, %broadcast_in_dim3A : vector<16xf32>
    %mul3A_182 = arith.constant 0.693147182 : f32
    %mul3A_183 = vector.broadcast %mul3A_182 : f32 to vector<16xf32>
    %mul3A_184 = arith.mulf %sub3A_181, %mul3A_183 : vector<16xf32>
    %exp3A_185 = math.exp %mul3A_184 : vector<16xf32>
    %swap3A_186 = arith.constant 0 : i32
    %swap3A_187 = arith.index_cast %swap3A_186 : i32 to index
    %swap3A_188 = arith.constant 80 : index
    %swap3A_189 = tpu.vector_load %arg7[%swap3A_187, %swap3A_188] {strides = array<i32>} : memref<4x128xf32, #tpu.memory_space<vmem>>, vector<1x16xf32>,
    %swap3A_190 = vector.shape_cast %swap3A_189 : vector<1x16xf32> to vector<16xf32>
    %swap3A_191 = vector.shape_cast %exp3A_185 : vector<16xf32> to vector<1x16xf32>
    tpu.vector_store %arg7[%swap3A_187, %swap3A_188], %swap3A_191 {strides = array<i32>} : memref<4x128xf32, #tpu.memory_space<vmem>>, vector<1x16xf32>,
    %get3A_192 = arith.constant 0 : i32
    %get3A_193 = arith.index_cast %get3A_192 : i32 to index
    %get3A_194 = arith.constant 96 : index
    %get3A_195 = tpu.vector_load %arg7[%get3A_193, %get3A_194] {strides = array<i32>} : memref<4x128xf32, #tpu.memory_space<vmem>>, vector<1x16xf32>,
    %get3A_196 = vector.shape_cast %get3A_195 : vector<1x16xf32> to vector<16xf32>
    %sub3A_197 = arith.subf %get3A_196, %broadcast_in_dim3A : vector<16xf32>
    %mul3A_198 = arith.constant 0.693147182 : f32
    %mul3A_199 = vector.broadcast %mul3A_198 : f32 to vector<16xf32>
    %mul3A_200 = arith.mulf %sub3A_197, %mul3A_199 : vector<16xf32>
    %exp3A_201 = math.exp %mul3A_200 : vector<16xf32>
    %swap3A_202 = arith.constant 0 : i32
    %swap3A_203 = arith.index_cast %swap3A_202 : i32 to index
    %swap3A_204 = arith.constant 96 : index
    %swap3A_205 = tpu.vector_load %arg7[%swap3A_203, %swap3A_204] {strides = array<i32>} : memref<4x128xf32, #tpu.memory_space<vmem>>, vector<1x16xf32>,
    %swap3A_206 = vector.shape_cast %swap3A_205 : vector<1x16xf32> to vector<16xf32>
    %swap3A_207 = vector.shape_cast %exp3A_201 : vector<16xf32> to vector<1x16xf32>
    tpu.vector_store %arg7[%swap3A_203, %swap3A_204], %swap3A_207 {strides = array<i32>} : memref<4x128xf32, #tpu.memory_space<vmem>>, vector<1x16xf32>,
    %get3A_208 = arith.constant 0 : i32
    %get3A_209 = arith.index_cast %get3A_208 : i32 to index
    %get3A_210 = arith.constant 112 : index
    %get3A_211 = tpu.vector_load %arg7[%get3A_209, %get3A_210] {strides = array<i32>} : memref<4x128xf32, #tpu.memory_space<vmem>>, vector<1x16xf32>,
    %get3A_212 = vector.shape_cast %get3A_211 : vector<1x16xf32> to vector<16xf32>
    %sub3A_213 = arith.subf %get3A_212, %broadcast_in_dim3A : vector<16xf32>
    %mul3A_214 = arith.constant 0.693147182 : f32
    %mul3A_215 = vector.broadcast %mul3A_214 : f32 to vector<16xf32>
    %mul3A_216 = arith.mulf %sub3A_213, %mul3A_215 : vector<16xf32>
    %exp3A_217 = math.exp %mul3A_216 : vector<16xf32>
    %swap3A_218 = arith.constant 0 : i32
    %swap3A_219 = arith.index_cast %swap3A_218 : i32 to index
    %swap3A_220 = arith.constant 112 : index
    %swap3A_221 = tpu.vector_load %arg7[%swap3A_219, %swap3A_220] {strides = array<i32>} : memref<4x128xf32, #tpu.memory_space<vmem>>, vector<1x16xf32>,
    %swap3A_222 = vector.shape_cast %swap3A_221 : vector<1x16xf32> to vector<16xf32>
    %swap3A_223 = vector.shape_cast %exp3A_217 : vector<16xf32> to vector<1x16xf32>
    tpu.vector_store %arg7[%swap3A_219, %swap3A_220], %swap3A_223 {strides = array<i32>} : memref<4x128xf32, #tpu.memory_space<vmem>>, vector<1x16xf32>,
    %get3A_224 = arith.constant 1 : i32
    %get3A_225 = arith.index_cast %get3A_224 : i32 to index
    %get3A_226 = arith.constant 0 : index
    %get3A_227 = tpu.vector_load %arg7[%get3A_225, %get3A_226] {strides = array<i32>} : memref<4x128xf32, #tpu.memory_space<vmem>>, vector<1x16xf32>,
    %get3A_228 = vector.shape_cast %get3A_227 : vector<1x16xf32> to vector<16xf32>
    %sub3A_229 = arith.subf %get3A_228, %broadcast_in_dim3A : vector<16xf32>
    %mul3A_230 = arith.constant 0.693147182 : f32
    %mul3A_231 = vector.broadcast %mul3A_230 : f32 to vector<16xf32>
    %mul3A_232 = arith.mulf %sub3A_229, %mul3A_231 : vector<16xf32>
    %exp3A_233 = math.exp %mul3A_232 : vector<16xf32>
    %swap3A_234 = arith.constant 1 : i32
    %swap3A_235 = arith.index_cast %swap3A_234 : i32 to index
    %swap3A_236 = arith.constant 0 : index
    %swap3A_237 = tpu.vector_load %arg7[%swap3A_235, %swap3A_236] {strides = array<i32>} : memref<4x128xf32, #tpu.memory_space<vmem>>, vector<1x16xf32>,
    %swap3A_238 = vector.shape_cast %swap3A_237 : vector<1x16xf32> to vector<16xf32>
    %swap3A_239 = vector.shape_cast %exp3A_233 : vector<16xf32> to vector<1x16xf32>
    tpu.vector_store %arg7[%swap3A_235, %swap3A_236], %swap3A_239 {strides = array<i32>} : memref<4x128xf32, #tpu.memory_space<vmem>>, vector<1x16xf32>,
    %get3A_240 = arith.constant 1 : i32
    %get3A_241 = arith.index_cast %get3A_240 : i32 to index
    %get3A_242 = arith.constant 16 : index
    %get3A_243 = tpu.vector_load %arg7[%get3A_241, %get3A_242] {strides = array<i32>} : memref<4x128xf32, #tpu.memory_space<vmem>>, vector<1x16xf32>,
    %get3A_244 = vector.shape_cast %get3A_243 : vector<1x16xf32> to vector<16xf32>
    %sub3A_245 = arith.subf %get3A_244, %broadcast_in_dim3A : vector<16xf32>
    %mul3A_246 = arith.constant 0.693147182 : f32
    %mul3A_247 = vector.broadcast %mul3A_246 : f32 to vector<16xf32>
    %mul3A_248 = arith.mulf %sub3A_245, %mul3A_247 : vector<16xf32>
    %exp3A_249 = math.exp %mul3A_248 : vector<16xf32>
    %swap3A_250 = arith.constant 1 : i32
    %swap3A_251 = arith.index_cast %swap3A_250 : i32 to index
    %swap3A_252 = arith.constant 16 : index
    %swap3A_253 = tpu.vector_load %arg7[%swap3A_251, %swap3A_252] {strides = array<i32>} : memref<4x128xf32, #tpu.memory_space<vmem>>, vector<1x16xf32>,
    %swap3A_254 = vector.shape_cast %swap3A_253 : vector<1x16xf32> to vector<16xf32>
    %swap3A_255 = vector.shape_cast %exp3A_249 : vector<16xf32> to vector<1x16xf32>
    tpu.vector_store %arg7[%swap3A_251, %swap3A_252], %swap3A_255 {strides = array<i32>} : memref<4x128xf32, #tpu.memory_space<vmem>>, vector<1x16xf32>,
    %get3A_256 = arith.constant 1 : i32
    %get3A_257 = arith.index_cast %get3A_256 : i32 to index
    %get3A_258 = arith.constant 32 : index
    %get3A_259 = tpu.vector_load %arg7[%get3A_257, %get3A_258] {strides = array<i32>} : memref<4x128xf32, #tpu.memory_space<vmem>>, vector<1x16xf32>,
    %get3A_260 = vector.shape_cast %get3A_259 : vector<1x16xf32> to vector<16xf32>
    %sub3A_261 = arith.subf %get3A_260, %broadcast_in_dim3A : vector<16xf32>
    %mul3A_262 = arith.constant 0.693147182 : f32
    %mul3A_263 = vector.broadcast %mul3A_262 : f32 to vector<16xf32>
    %mul3A_264 = arith.mulf %sub3A_261, %mul3A_263 : vector<16xf32>
    %exp3A_265 = math.exp %mul3A_264 : vector<16xf32>
    %swap3A_266 = arith.constant 1 : i32
    %swap3A_267 = arith.index_cast %swap3A_266 : i32 to index
    %swap3A_268 = arith.constant 32 : index
    %swap3A_269 = tpu.vector_load %arg7[%swap3A_267, %swap3A_268] {strides = array<i32>} : memref<4x128xf32, #tpu.memory_space<vmem>>, vector<1x16xf32>,
    %swap3A_270 = vector.shape_cast %swap3A_269 : vector<1x16xf32> to vector<16xf32>
    %swap3A_271 = vector.shape_cast %exp3A_265 : vector<16xf32> to vector<1x16xf32>
    tpu.vector_store %arg7[%swap3A_267, %swap3A_268], %swap3A_271 {strides = array<i32>} : memref<4x128xf32, #tpu.memory_space<vmem>>, vector<1x16xf32>,
    %get3A_272 = arith.constant 1 : i32
    %get3A_273 = arith.index_cast %get3A_272 : i32 to index
    %get3A_274 = arith.constant 48 : index
    %get3A_275 = tpu.vector_load %arg7[%get3A_273, %get3A_274] {strides = array<i32>} : memref<4x128xf32, #tpu.memory_space<vmem>>, vector<1x16xf32>,
    %get3A_276 = vector.shape_cast %get3A_275 : vector<1x16xf32> to vector<16xf32>
    %sub3A_277 = arith.subf %get3A_276, %broadcast_in_dim3A : vector<16xf32>
    %mul3A_278 = arith.constant 0.693147182 : f32
    %mul3A_279 = vector.broadcast %mul3A_278 : f32 to vector<16xf32>
    %mul3A_280 = arith.mulf %sub3A_277, %mul3A_279 : vector<16xf32>
    %exp3A_281 = math.exp %mul3A_280 : vector<16xf32>
    %swap3A_282 = arith.constant 1 : i32
    %swap3A_283 = arith.index_cast %swap3A_282 : i32 to index
    %swap3A_284 = arith.constant 48 : index
    %swap3A_285 = tpu.vector_load %arg7[%swap3A_283, %swap3A_284] {strides = array<i32>} : memref<4x128xf32, #tpu.memory_space<vmem>>, vector<1x16xf32>,
    %swap3A_286 = vector.shape_cast %swap3A_285 : vector<1x16xf32> to vector<16xf32>
    %swap3A_287 = vector.shape_cast %exp3A_281 : vector<16xf32> to vector<1x16xf32>
    tpu.vector_store %arg7[%swap3A_283, %swap3A_284], %swap3A_287 {strides = array<i32>} : memref<4x128xf32, #tpu.memory_space<vmem>>, vector<1x16xf32>,
    %get3A_288 = arith.constant 1 : i32
    %get3A_289 = arith.index_cast %get3A_288 : i32 to index
    %get3A_290 = arith.constant 64 : index
    %get3A_291 = tpu.vector_load %arg7[%get3A_289, %get3A_290] {strides = array<i32>} : memref<4x128xf32, #tpu.memory_space<vmem>>, vector<1x16xf32>,
    %get3A_292 = vector.shape_cast %get3A_291 : vector<1x16xf32> to vector<16xf32>
    %sub3A_293 = arith.subf %get3A_292, %broadcast_in_dim3A : vector<16xf32>
    %mul3A_294 = arith.constant 0.693147182 : f32
    %mul3A_295 = vector.broadcast %mul3A_294 : f32 to vector<16xf32>
    %mul3A_296 = arith.mulf %sub3A_293, %mul3A_295 : vector<16xf32>
    %exp3A_297 = math.exp %mul3A_296 : vector<16xf32>
    %swap3A_298 = arith.constant 1 : i32
    %swap3A_299 = arith.index_cast %swap3A_298 : i32 to index
    %swap3A_300 = arith.constant 64 : index
    %swap3A_301 = tpu.vector_load %arg7[%swap3A_299, %swap3A_300] {strides = array<i32>} : memref<4x128xf32, #tpu.memory_space<vmem>>, vector<1x16xf32>,
    %swap3A_302 = vector.shape_cast %swap3A_301 : vector<1x16xf32> to vector<16xf32>
    %swap3A_303 = vector.shape_cast %exp3A_297 : vector<16xf32> to vector<1x16xf32>
    tpu.vector_store %arg7[%swap3A_299, %swap3A_300], %swap3A_303 {strides = array<i32>} : memref<4x128xf32, #tpu.memory_space<vmem>>, vector<1x16xf32>,
    %get3A_304 = arith.constant 1 : i32
    %get3A_305 = arith.index_cast %get3A_304 : i32 to index
    %get3A_306 = arith.constant 80 : index
    %get3A_307 = tpu.vector_load %arg7[%get3A_305, %get3A_306] {strides = array<i32>} : memref<4x128xf32, #tpu.memory_space<vmem>>, vector<1x16xf32>,
    %get3A_308 = vector.shape_cast %get3A_307 : vector<1x16xf32> to vector<16xf32>
    %sub3A_309 = arith.subf %get3A_308, %broadcast_in_dim3A : vector<16xf32>
    %mul3A_310 = arith.constant 0.693147182 : f32
    %mul3A_311 = vector.broadcast %mul3A_310 : f32 to vector<16xf32>
    %mul3A_312 = arith.mulf %sub3A_309, %mul3A_311 : vector<16xf32>
    %exp3A_313 = math.exp %mul3A_312 : vector<16xf32>
    %swap3A_314 = arith.constant 1 : i32
    %swap3A_315 = arith.index_cast %swap3A_314 : i32 to index
    %swap3A_316 = arith.constant 80 : index
    %swap3A_317 = tpu.vector_load %arg7[%swap3A_315, %swap3A_316] {strides = array<i32>} : memref<4x128xf32, #tpu.memory_space<vmem>>, vector<1x16xf32>,
    %swap3A_318 = vector.shape_cast %swap3A_317 : vector<1x16xf32> to vector<16xf32>
    %swap3A_319 = vector.shape_cast %exp3A_313 : vector<16xf32> to vector<1x16xf32>
    tpu.vector_store %arg7[%swap3A_315, %swap3A_316], %swap3A_319 {strides = array<i32>} : memref<4x128xf32, #tpu.memory_space<vmem>>, vector<1x16xf32>,
    %get3A_320 = arith.constant 1 : i32
    %get3A_321 = arith.index_cast %get3A_320 : i32 to index
    %get3A_322 = arith.constant 96 : index
    %get3A_323 = tpu.vector_load %arg7[%get3A_321, %get3A_322] {strides = array<i32>} : memref<4x128xf32, #tpu.memory_space<vmem>>, vector<1x16xf32>,
    %get3A_324 = vector.shape_cast %get3A_323 : vector<1x16xf32> to vector<16xf32>
    %sub3A_325 = arith.subf %get3A_324, %broadcast_in_dim3A : vector<16xf32>
    %mul3A_326 = arith.constant 0.693147182 : f32
    %mul3A_327 = vector.broadcast %mul3A_326 : f32 to vector<16xf32>
    %mul3A_328 = arith.mulf %sub3A_325, %mul3A_327 : vector<16xf32>
    %exp3A_329 = math.exp %mul3A_328 : vector<16xf32>
    %swap3A_330 = arith.constant 1 : i32
    %swap3A_331 = arith.index_cast %swap3A_330 : i32 to index
    %swap3A_332 = arith.constant 96 : index
    %swap3A_333 = tpu.vector_load %arg7[%swap3A_331, %swap3A_332] {strides = array<i32>} : memref<4x128xf32, #tpu.memory_space<vmem>>, vector<1x16xf32>,
    %swap3A_334 = vector.shape_cast %swap3A_333 : vector<1x16xf32> to vector<16xf32>
    %swap3A_335 = vector.shape_cast %exp3A_329 : vector<16xf32> to vector<1x16xf32>
    tpu.vector_store %arg7[%swap3A_331, %swap3A_332], %swap3A_335 {strides = array<i32>} : memref<4x128xf32, #tpu.memory_space<vmem>>, vector<1x16xf32>,
    %get3A_336 = arith.constant 1 : i32
    %get3A_337 = arith.index_cast %get3A_336 : i32 to index
    %get3A_338 = arith.constant 112 : index
    %get3A_339 = tpu.vector_load %arg7[%get3A_337, %get3A_338] {strides = array<i32>} : memref<4x128xf32, #tpu.memory_space<vmem>>, vector<1x16xf32>,
    %get3A_340 = vector.shape_cast %get3A_339 : vector<1x16xf32> to vector<16xf32>
    %sub3A_341 = arith.subf %get3A_340, %broadcast_in_dim3A : vector<16xf32>
    %mul3A_342 = arith.constant 0.693147182 : f32
    %mul3A_343 = vector.broadcast %mul3A_342 : f32 to vector<16xf32>
    %mul3A_344 = arith.mulf %sub3A_341, %mul3A_343 : vector<16xf32>
    %exp3A_345 = math.exp %mul3A_344 : vector<16xf32>
    %swap3A_346 = arith.constant 1 : i32
    %swap3A_347 = arith.index_cast %swap3A_346 : i32 to index
    %swap3A_348 = arith.constant 112 : index
    %swap3A_349 = tpu.vector_load %arg7[%swap3A_347, %swap3A_348] {strides = array<i32>} : memref<4x128xf32, #tpu.memory_space<vmem>>, vector<1x16xf32>,
    %swap3A_350 = vector.shape_cast %swap3A_349 : vector<1x16xf32> to vector<16xf32>
    %swap3A_351 = vector.shape_cast %exp3A_345 : vector<16xf32> to vector<1x16xf32>
    tpu.vector_store %arg7[%swap3A_347, %swap3A_348], %swap3A_351 {strides = array<i32>} : memref<4x128xf32, #tpu.memory_space<vmem>>, vector<1x16xf32>,
    %get3A_352 = arith.constant 2 : i32
    %get3A_353 = arith.index_cast %get3A_352 : i32 to index
    %get3A_354 = arith.constant 0 : index
    %get3A_355 = tpu.vector_load %arg7[%get3A_353, %get3A_354] {strides = array<i32>} : memref<4x128xf32, #tpu.memory_space<vmem>>, vector<1x16xf32>,
    %get3A_356 = vector.shape_cast %get3A_355 : vector<1x16xf32> to vector<16xf32>
    %sub3A_357 = arith.subf %get3A_356, %broadcast_in_dim3A : vector<16xf32>
    %mul3A_358 = arith.constant 0.693147182 : f32
    %mul3A_359 = vector.broadcast %mul3A_358 : f32 to vector<16xf32>
    %mul3A_360 = arith.mulf %sub3A_357, %mul3A_359 : vector<16xf32>
    %exp3A_361 = math.exp %mul3A_360 : vector<16xf32>
    %swap3A_362 = arith.constant 2 : i32
    %swap3A_363 = arith.index_cast %swap3A_362 : i32 to index
    %swap3A_364 = arith.constant 0 : index
    %swap3A_365 = tpu.vector_load %arg7[%swap3A_363, %swap3A_364] {strides = array<i32>} : memref<4x128xf32, #tpu.memory_space<vmem>>, vector<1x16xf32>,
    %swap3A_366 = vector.shape_cast %swap3A_365 : vector<1x16xf32> to vector<16xf32>
    %swap3A_367 = vector.shape_cast %exp3A_361 : vector<16xf32> to vector<1x16xf32>
    tpu.vector_store %arg7[%swap3A_363, %swap3A_364], %swap3A_367 {strides = array<i32>} : memref<4x128xf32, #tpu.memory_space<vmem>>, vector<1x16xf32>,
    %get3A_368 = arith.constant 2 : i32
    %get3A_369 = arith.index_cast %get3A_368 : i32 to index
    %get3A_370 = arith.constant 16 : index
    %get3A_371 = tpu.vector_load %arg7[%get3A_369, %get3A_370] {strides = array<i32>} : memref<4x128xf32, #tpu.memory_space<vmem>>, vector<1x16xf32>,
    %get3A_372 = vector.shape_cast %get3A_371 : vector<1x16xf32> to vector<16xf32>
    %sub3A_373 = arith.subf %get3A_372, %broadcast_in_dim3A : vector<16xf32>
    %mul3A_374 = arith.constant 0.693147182 : f32
    %mul3A_375 = vector.broadcast %mul3A_374 : f32 to vector<16xf32>
    %mul3A_376 = arith.mulf %sub3A_373, %mul3A_375 : vector<16xf32>
    %exp3A_377 = math.exp %mul3A_376 : vector<16xf32>
    %swap3A_378 = arith.constant 2 : i32
    %swap3A_379 = arith.index_cast %swap3A_378 : i32 to index
    %swap3A_380 = arith.constant 16 : index
    %swap3A_381 = tpu.vector_load %arg7[%swap3A_379, %swap3A_380] {strides = array<i32>} : memref<4x128xf32, #tpu.memory_space<vmem>>, vector<1x16xf32>,
    %swap3A_382 = vector.shape_cast %swap3A_381 : vector<1x16xf32> to vector<16xf32>
    %swap3A_383 = vector.shape_cast %exp3A_377 : vector<16xf32> to vector<1x16xf32>
    tpu.vector_store %arg7[%swap3A_379, %swap3A_380], %swap3A_383 {strides = array<i32>} : memref<4x128xf32, #tpu.memory_space<vmem>>, vector<1x16xf32>,
    %get3A_384 = arith.constant 2 : i32
    %get3A_385 = arith.index_cast %get3A_384 : i32 to index
    %get3A_386 = arith.constant 32 : index
    %get3A_387 = tpu.vector_load %arg7[%get3A_385, %get3A_386] {strides = array<i32>} : memref<4x128xf32, #tpu.memory_space<vmem>>, vector<1x16xf32>,
    %get3A_388 = vector.shape_cast %get3A_387 : vector<1x16xf32> to vector<16xf32>
    %sub3A_389 = arith.subf %get3A_388, %broadcast_in_dim3A : vector<16xf32>
    %mul3A_390 = arith.constant 0.693147182 : f32
    %mul3A_391 = vector.broadcast %mul3A_390 : f32 to vector<16xf32>
    %mul3A_392 = arith.mulf %sub3A_389, %mul3A_391 : vector<16xf32>
    %exp3A_393 = math.exp %mul3A_392 : vector<16xf32>
    %swap3A_394 = arith.constant 2 : i32
    %swap3A_395 = arith.index_cast %swap3A_394 : i32 to index
    %swap3A_396 = arith.constant 32 : index
    %swap3A_397 = tpu.vector_load %arg7[%swap3A_395, %swap3A_396] {strides = array<i32>} : memref<4x128xf32, #tpu.memory_space<vmem>>, vector<1x16xf32>,
    %swap3A_398 = vector.shape_cast %swap3A_397 : vector<1x16xf32> to vector<16xf32>
    %swap3A_399 = vector.shape_cast %exp3A_393 : vector<16xf32> to vector<1x16xf32>
    tpu.vector_store %arg7[%swap3A_395, %swap3A_396], %swap3A_399 {strides = array<i32>} : memref<4x128xf32, #tpu.memory_space<vmem>>, vector<1x16xf32>,
    %get3A_400 = arith.constant 2 : i32
    %get3A_401 = arith.index_cast %get3A_400 : i32 to index
    %get3A_402 = arith.constant 48 : index
    %get3A_403 = tpu.vector_load %arg7[%get3A_401, %get3A_402] {strides = array<i32>} : memref<4x128xf32, #tpu.memory_space<vmem>>, vector<1x16xf32>,
    %get3A_404 = vector.shape_cast %get3A_403 : vector<1x16xf32> to vector<16xf32>
    %sub3A_405 = arith.subf %get3A_404, %broadcast_in_dim3A : vector<16xf32>
    %mul3A_406 = arith.constant 0.693147182 : f32
    %mul3A_407 = vector.broadcast %mul3A_406 : f32 to vector<16xf32>
    %mul3A_408 = arith.mulf %sub3A_405, %mul3A_407 : vector<16xf32>
    %exp3A_409 = math.exp %mul3A_408 : vector<16xf32>
    %swap3A_410 = arith.constant 2 : i32
    %swap3A_411 = arith.index_cast %swap3A_410 : i32 to index
    %swap3A_412 = arith.constant 48 : index
    %swap3A_413 = tpu.vector_load %arg7[%swap3A_411, %swap3A_412] {strides = array<i32>} : memref<4x128xf32, #tpu.memory_space<vmem>>, vector<1x16xf32>,
    %swap3A_414 = vector.shape_cast %swap3A_413 : vector<1x16xf32> to vector<16xf32>
    %swap3A_415 = vector.shape_cast %exp3A_409 : vector<16xf32> to vector<1x16xf32>
    tpu.vector_store %arg7[%swap3A_411, %swap3A_412], %swap3A_415 {strides = array<i32>} : memref<4x128xf32, #tpu.memory_space<vmem>>, vector<1x16xf32>,
    %get3A_416 = arith.constant 2 : i32
    %get3A_417 = arith.index_cast %get3A_416 : i32 to index
    %get3A_418 = arith.constant 64 : index
    %get3A_419 = tpu.vector_load %arg7[%get3A_417, %get3A_418] {strides = array<i32>} : memref<4x128xf32, #tpu.memory_space<vmem>>, vector<1x16xf32>,
    %get3A_420 = vector.shape_cast %get3A_419 : vector<1x16xf32> to vector<16xf32>
    %sub3A_421 = arith.subf %get3A_420, %broadcast_in_dim3A : vector<16xf32>
    %mul3A_422 = arith.constant 0.693147182 : f32
    %mul3A_423 = vector.broadcast %mul3A_422 : f32 to vector<16xf32>
    %mul3A_424 = arith.mulf %sub3A_421, %mul3A_423 : vector<16xf32>
    %exp3A_425 = math.exp %mul3A_424 : vector<16xf32>
    %swap3A_426 = arith.constant 2 : i32
    %swap3A_427 = arith.index_cast %swap3A_426 : i32 to index
    %swap3A_428 = arith.constant 64 : index
    %swap3A_429 = tpu.vector_load %arg7[%swap3A_427, %swap3A_428] {strides = array<i32>} : memref<4x128xf32, #tpu.memory_space<vmem>>, vector<1x16xf32>,
    %swap3A_430 = vector.shape_cast %swap3A_429 : vector<1x16xf32> to vector<16xf32>
    %swap3A_431 = vector.shape_cast %exp3A_425 : vector<16xf32> to vector<1x16xf32>
    tpu.vector_store %arg7[%swap3A_427, %swap3A_428], %swap3A_431 {strides = array<i32>} : memref<4x128xf32, #tpu.memory_space<vmem>>, vector<1x16xf32>,
    %get3A_432 = arith.constant 2 : i32
    %get3A_433 = arith.index_cast %get3A_432 : i32 to index
    %get3A_434 = arith.constant 80 : index
    %get3A_435 = tpu.vector_load %arg7[%get3A_433, %get3A_434] {strides = array<i32>} : memref<4x128xf32, #tpu.memory_space<vmem>>, vector<1x16xf32>,
    %get3A_436 = vector.shape_cast %get3A_435 : vector<1x16xf32> to vector<16xf32>
    %sub3A_437 = arith.subf %get3A_436, %broadcast_in_dim3A : vector<16xf32>
    %mul3A_438 = arith.constant 0.693147182 : f32
    %mul3A_439 = vector.broadcast %mul3A_438 : f32 to vector<16xf32>
    %mul3A_440 = arith.mulf %sub3A_437, %mul3A_439 : vector<16xf32>
    %exp3A_441 = math.exp %mul3A_440 : vector<16xf32>
    %swap3A_442 = arith.constant 2 : i32
    %swap3A_443 = arith.index_cast %swap3A_442 : i32 to index
    %swap3A_444 = arith.constant 80 : index
    %swap3A_445 = tpu.vector_load %arg7[%swap3A_443, %swap3A_444] {strides = array<i32>} : memref<4x128xf32, #tpu.memory_space<vmem>>, vector<1x16xf32>,
    %swap3A_446 = vector.shape_cast %swap3A_445 : vector<1x16xf32> to vector<16xf32>
    %swap3A_447 = vector.shape_cast %exp3A_441 : vector<16xf32> to vector<1x16xf32>
    tpu.vector_store %arg7[%swap3A_443, %swap3A_444], %swap3A_447 {strides = array<i32>} : memref<4x128xf32, #tpu.memory_space<vmem>>, vector<1x16xf32>,
    %get3A_448 = arith.constant 2 : i32
    %get3A_449 = arith.index_cast %get3A_448 : i32 to index
    %get3A_450 = arith.constant 96 : index
    %get3A_451 = tpu.vector_load %arg7[%get3A_449, %get3A_450] {strides = array<i32>} : memref<4x128xf32, #tpu.memory_space<vmem>>, vector<1x16xf32>,
    %get3A_452 = vector.shape_cast %get3A_451 : vector<1x16xf32> to vector<16xf32>
    %sub3A_453 = arith.subf %get3A_452, %broadcast_in_dim3A : vector<16xf32>
    %mul3A_454 = arith.constant 0.693147182 : f32
    %mul3A_455 = vector.broadcast %mul3A_454 : f32 to vector<16xf32>
    %mul3A_456 = arith.mulf %sub3A_453, %mul3A_455 : vector<16xf32>
    %exp3A_457 = math.exp %mul3A_456 : vector<16xf32>
    %swap3A_458 = arith.constant 2 : i32
    %swap3A_459 = arith.index_cast %swap3A_458 : i32 to index
    %swap3A_460 = arith.constant 96 : index
    %swap3A_461 = tpu.vector_load %arg7[%swap3A_459, %swap3A_460] {strides = array<i32>} : memref<4x128xf32, #tpu.memory_space<vmem>>, vector<1x16xf32>,
    %swap3A_462 = vector.shape_cast %swap3A_461 : vector<1x16xf32> to vector<16xf32>
    %swap3A_463 = vector.shape_cast %exp3A_457 : vector<16xf32> to vector<1x16xf32>
    tpu.vector_store %arg7[%swap3A_459, %swap3A_460], %swap3A_463 {strides = array<i32>} : memref<4x128xf32, #tpu.memory_space<vmem>>, vector<1x16xf32>,
    %get3A_464 = arith.constant 2 : i32
    %get3A_465 = arith.index_cast %get3A_464 : i32 to index
    %get3A_466 = arith.constant 112 : index
    %get3A_467 = tpu.vector_load %arg7[%get3A_465, %get3A_466] {strides = array<i32>} : memref<4x128xf32, #tpu.memory_space<vmem>>, vector<1x16xf32>,
    %get3A_468 = vector.shape_cast %get3A_467 : vector<1x16xf32> to vector<16xf32>
    %sub3A_469 = arith.subf %get3A_468, %broadcast_in_dim3A : vector<16xf32>
    %mul3A_470 = arith.constant 0.693147182 : f32
    %mul3A_471 = vector.broadcast %mul3A_470 : f32 to vector<16xf32>
    %mul3A_472 = arith.mulf %sub3A_469, %mul3A_471 : vector<16xf32>
    %exp3A_473 = math.exp %mul3A_472 : vector<16xf32>
    %swap3A_474 = arith.constant 2 : i32
    %swap3A_475 = arith.index_cast %swap3A_474 : i32 to index
    %swap3A_476 = arith.constant 112 : index
    %swap3A_477 = tpu.vector_load %arg7[%swap3A_475, %swap3A_476] {strides = array<i32>} : memref<4x128xf32, #tpu.memory_space<vmem>>, vector<1x16xf32>,
    %swap3A_478 = vector.shape_cast %swap3A_477 : vector<1x16xf32> to vector<16xf32>
    %swap3A_479 = vector.shape_cast %exp3A_473 : vector<16xf32> to vector<1x16xf32>
    tpu.vector_store %arg7[%swap3A_475, %swap3A_476], %swap3A_479 {strides = array<i32>} : memref<4x128xf32, #tpu.memory_space<vmem>>, vector<1x16xf32>,
    %get3A_480 = arith.constant 3 : i32
    %get3A_481 = arith.index_cast %get3A_480 : i32 to index
    %get3A_482 = arith.constant 0 : index
    %get3A_483 = tpu.vector_load %arg7[%get3A_481, %get3A_482] {strides = array<i32>} : memref<4x128xf32, #tpu.memory_space<vmem>>, vector<1x16xf32>,
    %get3A_484 = vector.shape_cast %get3A_483 : vector<1x16xf32> to vector<16xf32>
    %sub3A_485 = arith.subf %get3A_484, %broadcast_in_dim3A : vector<16xf32>
    %mul3A_486 = arith.constant 0.693147182 : f32
    %mul3A_487 = vector.broadcast %mul3A_486 : f32 to vector<16xf32>
    %mul3A_488 = arith.mulf %sub3A_485, %mul3A_487 : vector<16xf32>
    %exp3A_489 = math.exp %mul3A_488 : vector<16xf32>
    %swap3A_490 = arith.constant 3 : i32
    %swap3A_491 = arith.index_cast %swap3A_490 : i32 to index
    %swap3A_492 = arith.constant 0 : index
    %swap3A_493 = tpu.vector_load %arg7[%swap3A_491, %swap3A_492] {strides = array<i32>} : memref<4x128xf32, #tpu.memory_space<vmem>>, vector<1x16xf32>,
    %swap3A_494 = vector.shape_cast %swap3A_493 : vector<1x16xf32> to vector<16xf32>
    %swap3A_495 = vector.shape_cast %exp3A_489 : vector<16xf32> to vector<1x16xf32>
    tpu.vector_store %arg7[%swap3A_491, %swap3A_492], %swap3A_495 {strides = array<i32>} : memref<4x128xf32, #tpu.memory_space<vmem>>, vector<1x16xf32>,
    %get3A_496 = arith.constant 3 : i32
    %get3A_497 = arith.index_cast %get3A_496 : i32 to index
    %get3A_498 = arith.constant 16 : index
    %get3A_499 = tpu.vector_load %arg7[%get3A_497, %get3A_498] {strides = array<i32>} : memref<4x128xf32, #tpu.memory_space<vmem>>, vector<1x16xf32>,
    %get3A_500 = vector.shape_cast %get3A_499 : vector<1x16xf32> to vector<16xf32>
    %sub3A_501 = arith.subf %get3A_500, %broadcast_in_dim3A : vector<16xf32>
    %mul3A_502 = arith.constant 0.693147182 : f32
    %mul3A_503 = vector.broadcast %mul3A_502 : f32 to vector<16xf32>
    %mul3A_504 = arith.mulf %sub3A_501, %mul3A_503 : vector<16xf32>
    %exp3A_505 = math.exp %mul3A_504 : vector<16xf32>
    %swap3A_506 = arith.constant 3 : i32
    %swap3A_507 = arith.index_cast %swap3A_506 : i32 to index
    %swap3A_508 = arith.constant 16 : index
    %swap3A_509 = tpu.vector_load %arg7[%swap3A_507, %swap3A_508] {strides = array<i32>} : memref<4x128xf32, #tpu.memory_space<vmem>>, vector<1x16xf32>,
    %swap3A_510 = vector.shape_cast %swap3A_509 : vector<1x16xf32> to vector<16xf32>
    %swap3A_511 = vector.shape_cast %exp3A_505 : vector<16xf32> to vector<1x16xf32>
    tpu.vector_store %arg7[%swap3A_507, %swap3A_508], %swap3A_511 {strides = array<i32>} : memref<4x128xf32, #tpu.memory_space<vmem>>, vector<1x16xf32>,
    %get3A_512 = arith.constant 3 : i32
    %get3A_513 = arith.index_cast %get3A_512 : i32 to index
    %get3A_514 = arith.constant 32 : index
    %get3A_515 = tpu.vector_load %arg7[%get3A_513, %get3A_514] {strides = array<i32>} : memref<4x128xf32, #tpu.memory_space<vmem>>, vector<1x16xf32>,
    %get3A_516 = vector.shape_cast %get3A_515 : vector<1x16xf32> to vector<16xf32>
    %sub3A_517 = arith.subf %get3A_516, %broadcast_in_dim3A : vector<16xf32>
    %mul3A_518 = arith.constant 0.693147182 : f32
    %mul3A_519 = vector.broadcast %mul3A_518 : f32 to vector<16xf32>
    %mul3A_520 = arith.mulf %sub3A_517, %mul3A_519 : vector<16xf32>
    %exp3A_521 = math.exp %mul3A_520 : vector<16xf32>
    %swap3A_522 = arith.constant 3 : i32
    %swap3A_523 = arith.index_cast %swap3A_522 : i32 to index
    %swap3A_524 = arith.constant 32 : index
    %swap3A_525 = tpu.vector_load %arg7[%swap3A_523, %swap3A_524] {strides = array<i32>} : memref<4x128xf32, #tpu.memory_space<vmem>>, vector<1x16xf32>,
    %swap3A_526 = vector.shape_cast %swap3A_525 : vector<1x16xf32> to vector<16xf32>
    %swap3A_527 = vector.shape_cast %exp3A_521 : vector<16xf32> to vector<1x16xf32>
    tpu.vector_store %arg7[%swap3A_523, %swap3A_524], %swap3A_527 {strides = array<i32>} : memref<4x128xf32, #tpu.memory_space<vmem>>, vector<1x16xf32>,
    %get3A_528 = arith.constant 3 : i32
    %get3A_529 = arith.index_cast %get3A_528 : i32 to index
    %get3A_530 = arith.constant 48 : index
    %get3A_531 = tpu.vector_load %arg7[%get3A_529, %get3A_530] {strides = array<i32>} : memref<4x128xf32, #tpu.memory_space<vmem>>, vector<1x16xf32>,
    %get3A_532 = vector.shape_cast %get3A_531 : vector<1x16xf32> to vector<16xf32>
    %sub3A_533 = arith.subf %get3A_532, %broadcast_in_dim3A : vector<16xf32>
    %mul3A_534 = arith.constant 0.693147182 : f32
    %mul3A_535 = vector.broadcast %mul3A_534 : f32 to vector<16xf32>
    %mul3A_536 = arith.mulf %sub3A_533, %mul3A_535 : vector<16xf32>
    %exp3A_537 = math.exp %mul3A_536 : vector<16xf32>
    %swap3A_538 = arith.constant 3 : i32
    %swap3A_539 = arith.index_cast %swap3A_538 : i32 to index
    %swap3A_540 = arith.constant 48 : index
    %swap3A_541 = tpu.vector_load %arg7[%swap3A_539, %swap3A_540] {strides = array<i32>} : memref<4x128xf32, #tpu.memory_space<vmem>>, vector<1x16xf32>,
    %swap3A_542 = vector.shape_cast %swap3A_541 : vector<1x16xf32> to vector<16xf32>
    %swap3A_543 = vector.shape_cast %exp3A_537 : vector<16xf32> to vector<1x16xf32>
    tpu.vector_store %arg7[%swap3A_539, %swap3A_540], %swap3A_543 {strides = array<i32>} : memref<4x128xf32, #tpu.memory_space<vmem>>, vector<1x16xf32>,
    %get3A_544 = arith.constant 3 : i32
    %get3A_545 = arith.index_cast %get3A_544 : i32 to index
    %get3A_546 = arith.constant 64 : index
    %get3A_547 = tpu.vector_load %arg7[%get3A_545, %get3A_546] {strides = array<i32>} : memref<4x128xf32, #tpu.memory_space<vmem>>, vector<1x16xf32>,
    %get3A_548 = vector.shape_cast %get3A_547 : vector<1x16xf32> to vector<16xf32>
    %sub3A_549 = arith.subf %get3A_548, %broadcast_in_dim3A : vector<16xf32>
    %mul3A_550 = arith.constant 0.693147182 : f32
    %mul3A_551 = vector.broadcast %mul3A_550 : f32 to vector<16xf32>
    %mul3A_552 = arith.mulf %sub3A_549, %mul3A_551 : vector<16xf32>
    %exp3A_553 = math.exp %mul3A_552 : vector<16xf32>
    %swap3A_554 = arith.constant 3 : i32
    %swap3A_555 = arith.index_cast %swap3A_554 : i32 to index
    %swap3A_556 = arith.constant 64 : index
    %swap3A_557 = tpu.vector_load %arg7[%swap3A_555, %swap3A_556] {strides = array<i32>} : memref<4x128xf32, #tpu.memory_space<vmem>>, vector<1x16xf32>,
    %swap3A_558 = vector.shape_cast %swap3A_557 : vector<1x16xf32> to vector<16xf32>
    %swap3A_559 = vector.shape_cast %exp3A_553 : vector<16xf32> to vector<1x16xf32>
    tpu.vector_store %arg7[%swap3A_555, %swap3A_556], %swap3A_559 {strides = array<i32>} : memref<4x128xf32, #tpu.memory_space<vmem>>, vector<1x16xf32>,
    %get3A_560 = arith.constant 3 : i32
    %get3A_561 = arith.index_cast %get3A_560 : i32 to index
    %get3A_562 = arith.constant 80 : index
    %get3A_563 = tpu.vector_load %arg7[%get3A_561, %get3A_562] {strides = array<i32>} : memref<4x128xf32, #tpu.memory_space<vmem>>, vector<1x16xf32>,
    %get3A_564 = vector.shape_cast %get3A_563 : vector<1x16xf32> to vector<16xf32>
    %sub3A_565 = arith.subf %get3A_564, %broadcast_in_dim3A : vector<16xf32>
    %mul3A_566 = arith.constant 0.693147182 : f32
    %mul3A_567 = vector.broadcast %mul3A_566 : f32 to vector<16xf32>
    %mul3A_568 = arith.mulf %sub3A_565, %mul3A_567 : vector<16xf32>
    %exp3A_569 = math.exp %mul3A_568 : vector<16xf32>
    %swap3A_570 = arith.constant 3 : i32
    %swap3A_571 = arith.index_cast %swap3A_570 : i32 to index
    %swap3A_572 = arith.constant 80 : index
    %swap3A_573 = tpu.vector_load %arg7[%swap3A_571, %swap3A_572] {strides = array<i32>} : memref<4x128xf32, #tpu.memory_space<vmem>>, vector<1x16xf32>,
    %swap3A_574 = vector.shape_cast %swap3A_573 : vector<1x16xf32> to vector<16xf32>
    %swap3A_575 = vector.shape_cast %exp3A_569 : vector<16xf32> to vector<1x16xf32>
    tpu.vector_store %arg7[%swap3A_571, %swap3A_572], %swap3A_575 {strides = array<i32>} : memref<4x128xf32, #tpu.memory_space<vmem>>, vector<1x16xf32>,
    %get3A_576 = arith.constant 3 : i32
    %get3A_577 = arith.index_cast %get3A_576 : i32 to index
    %get3A_578 = arith.constant 96 : index
    %get3A_579 = tpu.vector_load %arg7[%get3A_577, %get3A_578] {strides = array<i32>} : memref<4x128xf32, #tpu.memory_space<vmem>>, vector<1x16xf32>,
    %get3A_580 = vector.shape_cast %get3A_579 : vector<1x16xf32> to vector<16xf32>
    %sub3A_581 = arith.subf %get3A_580, %broadcast_in_dim3A : vector<16xf32>
    %mul3A_582 = arith.constant 0.693147182 : f32
    %mul3A_583 = vector.broadcast %mul3A_582 : f32 to vector<16xf32>
    %mul3A_584 = arith.mulf %sub3A_581, %mul3A_583 : vector<16xf32>
    %exp3A_585 = math.exp %mul3A_584 : vector<16xf32>
    %swap3A_586 = arith.constant 3 : i32
    %swap3A_587 = arith.index_cast %swap3A_586 : i32 to index
    %swap3A_588 = arith.constant 96 : index
    %swap3A_589 = tpu.vector_load %arg7[%swap3A_587, %swap3A_588] {strides = array<i32>} : memref<4x128xf32, #tpu.memory_space<vmem>>, vector<1x16xf32>,
    %swap3A_590 = vector.shape_cast %swap3A_589 : vector<1x16xf32> to vector<16xf32>
    %swap3A_591 = vector.shape_cast %exp3A_585 : vector<16xf32> to vector<1x16xf32>
    tpu.vector_store %arg7[%swap3A_587, %swap3A_588], %swap3A_591 {strides = array<i32>} : memref<4x128xf32, #tpu.memory_space<vmem>>, vector<1x16xf32>,
    %get3A_592 = arith.constant 3 : i32
    %get3A_593 = arith.index_cast %get3A_592 : i32 to index
    %get3A_594 = arith.constant 112 : index
    %get3A_595 = tpu.vector_load %arg7[%get3A_593, %get3A_594] {strides = array<i32>} : memref<4x128xf32, #tpu.memory_space<vmem>>, vector<1x16xf32>,
    %get3A_596 = vector.shape_cast %get3A_595 : vector<1x16xf32> to vector<16xf32>
    %sub3A_597 = arith.subf %get3A_596, %broadcast_in_dim3A : vector<16xf32>
    %mul3A_598 = arith.constant 0.693147182 : f32
    %mul3A_599 = vector.broadcast %mul3A_598 : f32 to vector<16xf32>
    %mul3A_600 = arith.mulf %sub3A_597, %mul3A_599 : vector<16xf32>
    %exp3A_601 = math.exp %mul3A_600 : vector<16xf32>
    %swap3A_602 = arith.constant 3 : i32
    %swap3A_603 = arith.index_cast %swap3A_602 : i32 to index
    %swap3A_604 = arith.constant 112 : index
    %swap3A_605 = tpu.vector_load %arg7[%swap3A_603, %swap3A_604] {strides = array<i32>} : memref<4x128xf32, #tpu.memory_space<vmem>>, vector<1x16xf32>,
    %swap3A_606 = vector.shape_cast %swap3A_605 : vector<1x16xf32> to vector<16xf32>
    %swap3A_607 = vector.shape_cast %exp3A_601 : vector<16xf32> to vector<1x16xf32>
    tpu.vector_store %arg7[%swap3A_603, %swap3A_604], %swap3A_607 {strides = array<i32>} : memref<4x128xf32, #tpu.memory_space<vmem>>, vector<1x16xf32>,
    %dma_start3A_608 = arith.constant 0 : i32
    %dma_start3A_609 = tpu.memref_slice %arg5[%mul3A_2, %dma_start3A_608] : memref<128x128xf32, #tpu.memory_space<hbm>> -> memref<4x128xf32, #tpu.memory_space<hbm>>
    %dma_start3A_610 = arith.constant 0 : i32
    %dma_start3A_611 = tpu.memref_slice %arg5[%mul3A_2, %dma_start3A_610] : memref<128x128xf32, #tpu.memory_space<hbm>> -> memref<4x128xf32, #tpu.memory_space<hbm>>
    tpu.enqueue_dma source(%arg7 : memref<4x128xf32, #tpu.memory_space<vmem>>) target(%dma_start3A_611 : memref<4x128xf32, #tpu.memory_space<hbm>>) target_semaphore(%arg13 : memref<!tpu.dma_semaphore, #tpu.memory_space<semaphore_mem>>)
    %dma_wait3A_612 = arith.constant 0 : i32
    %dma_wait3A_613 = tpu.memref_slice %arg5[%mul3A_2, %dma_wait3A_612] : memref<128x128xf32, #tpu.memory_space<hbm>> -> memref<4x128xf32, #tpu.memory_space<hbm>>
    %dma_wait3A_614 = arith.constant 0 : i32
    %dma_wait3A_615 = tpu.memref_slice %arg5[%mul3A_2, %dma_wait3A_614] : memref<128x128xf32, #tpu.memory_space<hbm>> -> memref<4x128xf32, #tpu.memory_space<hbm>>
    tpu.wait_dma2 semaphore(%arg13 : memref<!tpu.dma_semaphore, #tpu.memory_space<semaphore_mem>>) src(%arg7 : memref<4x128xf32, #tpu.memory_space<vmem>>) dst(%dma_wait3A_615 : memref<4x128xf32, #tpu.memory_space<hbm>>)
    return
  }
}

</mosaic_0001>

<sc_bundles>
// kernel: kernel.3.cloned.1.call-start
scs
__scs_entry_jumppad:
0x0: {  	(pc) =	sbr.rel $0x88, $3  }
0x1: {  	(tag) =	ssettag $0x0;
	lr =	simm.s32 $0x1  }
0x2: {  	[smem:$0x3F9E] =	sst lr;
	_ =	strace $0xD0000000  }
0x3: {  	_ = 	snop  }
0x4: {  	_ = 	snop  }
0x5: {  	_ = 	snop  }
0x6: {  	_ = 	snop  }
0x7: {  	_ = 	snop  }
__scs_overlays_trampoline_lowered:
0x8: {  	[smem:$0x3FAD] =	sst s0  }
0x9: {  	[smem:$0x3FAE] =	sst s1  }
0xa: {  	[smem:$0x3FAF] =	sst s2  }
0xb: {  	[smem:$0x3FB0] =	sst s3  }
0xc: {  	[smem:$0x3FB1] =	sst s4  }
0xd: {  	[smem:$0x3FB2] =	sst s5  }
0xe: {  	[smem:$0x3FB3] =	sst s6  }
0xf: {  	[smem:$0x3FB4] =	sst s7  }
0x10: {  	[smem:$0x3FB5] =	sst s8  }
0x11: {  	[smem:$0x3FB6] =	sst s9;
	s0 =	simm.s32 @!p0 $0x0  }
0x12: {  	s1 =	sld [smem:$0x3F9C];
	s0 =	simm.s32 @p0 $0x1  }
0x13: {  	[smem:$0x3FB7] =	sst s0;
	s0 =	simm.s32 @!p1 $0x0  }
0x14: {  	s2 =	sld [smem:$0x3F9B];
	s0 =	simm.s32 @p1 $0x1  }
0x15: {  	[smem:$0x3FB8] =	sst s0;
	s0 =	simm.s32 @!p2 $0x0  }
0x16: {  	s3 =	sld [smem:$0x3FDB];
	s0 =	simm.s32 @p2 $0x1  }
0x17: {  	s4 =	simm.s32 $0x1BF5;
	[smem:$0x3FBA] =	sst s0  }
0x18: {  	s0 =	sld [smem:$0x3F9D];
	_ =	swait.ge [sflag:s4], $0x0  }
0x19: {  	s7 =	sld [smem:$0x3F9E]  }
0x1a: {  	s8 =	sadd.s32 $0xFFFFE003, lr  }
0x1b: {  	s9 =	sadd.s32 $0xFFFFFEF7, lr;
	s5 =	simm.s32 $0xFFFFFFFF;
	p2 =	slt.u32 s8, $0xFFFFF086  }
0x1c: {  	p1 =	slt.u32 s9, $0xF7A;
	s5 =	simm.s32 @!p2 $0x0  }
0x1d: {  	s5 =	simm.s32 @p1 $0x1;
	p0 =	seq.s32 s7, s2  }
0x1e: {  	s7 =	smul.u32 @!p0 $0xF7A, s2;
	p2 =	seq.s32 @!p0 s5, $0x0  }
0x1f: {  	s9 =	smul.u32 $0xF7A, s1;
	s8 =	simm.s32 @!p0 $0x1BF5;
	p2 =	por !p2, p0  }
0x20: {  	[sflag:s8] =	ssyncset.s32 @!p0 $0xFFFFF086;
	s6 =	sadd.s32 @!p0 s3, s7;
	s7 =	simm.s32 @!p0 $0x108  }
0x21: {  	s3 =	sadd.s32 s3, s9;
	s6 =	sadd.s32 @!p0 $0x88, s6;
	s7 =	simm.s32 @p2 $0x1082  }
0x22: {  	[simem:s7], [sflag:s8] =	dma.local @!p0 [hbm:s6], $0xF7A  }
0x23: {  	s9 =	sor.u32 $0xD0000000, s2;
	s6 =	simm.s32 $0x108;
	_ =	swait.ge @!p0 [sflag:s8], $0x0  }
0x24: {  	s3 =	sadd.s32 $0x88, s3;
	s6 =	simm.s32 @!p1 $0x1082;
	[sflag:s4] =	ssyncset.s32 $0xFFFFF086  }
0x25: {  	[simem:s6], [sflag:s4] =	dma.local [hbm:s3], $0xF7A  }
0x26: {  	[smem:$0x3F9E] =	sst s1;
	(tag) =	ssettag s2;
	_ =	strace s9  }
0x27: {  	s1 =	sld [smem:$0x3FAE]  }
0x28: {  	s2 =	sld [smem:$0x3FAF]  }
0x29: {  	s4 =	sld [smem:$0x3FB1]  }
0x2a: {  	p0 =	seq.s32 s5, $0x0;
	s5 =	sld [smem:$0x3FB2]  }
0x2b: {  	s6 =	sld [smem:$0x3FB3]  }
0x2c: {  	s7 =	sld [smem:$0x3FB4]  }
0x2d: {  	s3 =	simm.s32 $0x108;
	s8 =	sld [smem:$0x3FB5]  }
0x2e: {  	s3 =	simm.s32 @!p0 $0x1082;
	s9 =	sld [smem:$0x3FB6]  }
0x2f: {  	lr =	sadd.s32 s0, s3;
	s0 =	sld [smem:$0x3FAD]  }
0x30: {  	s3 =	sld [smem:$0x3FB0]  }
0x31: {  	[smem:$0x3FB9] =	sst s10  }
0x32: {  	s10 =	sld [smem:$0x3FB7];
	_ =	sdelay $0x3  }
0x33: {  	p0 =	seq.s32 s10, $0x1;
	s10 =	sld [smem:$0x3FB9];
	_ =	sdelay $0x3  }
0x34: {  	[smem:$0x3FB9] =	sst s10  }
0x35: {  	s10 =	sld [smem:$0x3FB8];
	_ =	sdelay $0x3  }
0x36: {  	p1 =	seq.s32 s10, $0x1;
	s10 =	sld [smem:$0x3FB9];
	_ =	sdelay $0x3  }
0x37: {  	[smem:$0x3FB9] =	sst s10  }
0x38: {  	s10 =	sld [smem:$0x3FBA]  }
0x39: {  	_ = 	snop;
	(pc) =	sbr.ind lr, $3  }
0x3a: {  	_ = 	snop  }
0x3b: {  	_ = 	snop  }
0x3c: {  	p2 =	seq.s32 s10, $0x1;
	s10 =	sld [smem:$0x3FB9]  }
0x3d: {  	_ =	shalt  }
0x3e: {  	_ =	shalt  }
0x3f: {  	_ =	shalt  }
0x40: {  	_ =	shalt  }
0x41: {  	_ =	shalt  }
0x42: {  	_ =	shalt  }
0x43: {  	_ =	shalt  }
0x44: {  	_ =	shalt  }
0x45: {  	_ =	shalt  }
0x46: {  	_ =	shalt  }
0x47: {  	_ =	shalt  }
0x48: {  	_ =	shalt  }
0x49: {  	_ =	shalt  }
0x4a: {  	_ =	shalt  }
0x4b: {  	_ =	shalt  }
0x4c: {  	_ =	shalt  }
0x4d: {  	_ =	shalt  }
0x4e: {  	_ =	shalt  }
0x4f: {  	_ =	shalt  }
0x50: {  	_ =	shalt  }
0x51: {  	_ =	shalt  }
0x52: {  	_ =	shalt  }
0x53: {  	_ =	shalt  }
0x54: {  	_ =	shalt  }
0x55: {  	_ =	shalt  }
0x56: {  	_ =	shalt  }
0x57: {  	_ =	shalt  }
0x58: {  	_ =	shalt  }
0x59: {  	_ =	shalt  }
0x5a: {  	_ =	shalt  }
0x5b: {  	_ =	shalt  }
0x5c: {  	_ =	shalt  }
0x5d: {  	_ =	shalt  }
0x5e: {  	_ =	shalt  }
0x5f: {  	_ =	shalt  }
0x60: {  	_ =	shalt  }
0x61: {  	_ =	shalt  }
0x62: {  	_ =	shalt  }
0x63: {  	_ =	shalt  }
0x64: {  	_ =	shalt  }
0x65: {  	_ =	shalt  }
0x66: {  	_ =	shalt  }
0x67: {  	_ =	shalt  }
0x68: {  	_ =	shalt  }
0x69: {  	_ =	shalt  }
0x6a: {  	_ =	shalt  }
0x6b: {  	_ =	shalt  }
0x6c: {  	_ =	shalt  }
0x6d: {  	_ =	shalt  }
0x6e: {  	_ =	shalt  }
0x6f: {  	_ =	shalt  }
0x70: {  	_ =	shalt  }
0x71: {  	_ =	shalt  }
0x72: {  	_ =	shalt  }
0x73: {  	_ =	shalt  }
0x74: {  	_ =	shalt  }
0x75: {  	_ =	shalt  }
0x76: {  	_ =	shalt  }
0x77: {  	_ =	shalt  }
0x78: {  	_ =	shalt  }
0x79: {  	_ =	shalt  }
0x7a: {  	_ =	shalt  }
0x7b: {  	_ =	shalt  }
0x7c: {  	_ =	shalt  }
0x7d: {  	_ =	shalt  }
0x7e: {  	_ =	shalt  }
0x7f: {  	_ =	shalt  }
0x80: {  	_ =	shalt  }
0x81: {  	_ =	shalt  }
0x82: {  	_ =	shalt  }
0x83: {  	_ =	shalt  }
0x84: {  	_ =	shalt  }
0x85: {  	_ =	shalt  }
0x86: {  	_ =	shalt  }
0x87: {  	_ =	shalt  }
.Lfunc_end0:
.L_simem_size_0:
called_computation_lowered:
.L_overlay_start_0:
0x88: {  	s2 =	sld [smem:$0x3FD9]  }
0x89: {  	s3 =	sld [smem:$0x3FFE];
	_ =	sdelay $0x1  }
0x8a: {  	s1 =	srdreg.scid  }
0x8b: {  	s0 =	sand.u32 $0x1, s1  }
0x8c: {  	s17 =	sshll.u32 s0, $0xA;
	s2 =	sadd.s32 s3, s2  }
0x8d: {  	s2 =	sadd.s32 s2, s17  }
0x8e: {  	[smem:$0x3FC5] =	sst s2  }
0x8f: {  	_ = 	snop  }
0x90: {  	s2 =	sld [smem:$0x3FC9]  }
0x91: {  	s18 =	sld [smem:$0x3FC8]  }
0x92: {  	s4 =	sld [smem:$0x3FD0];
	(tm) =	ssettm $0x1  }
0x93: {  	s5 =	sld [smem:$0x3FFB];
	_ =	sdelay $0x3  }
0x94: {  	_ =	strace s5  }
0x95: {  	s5 =	sld [smem:$0x3FFC];
	_ =	sdelay $0x3  }
0x96: {  	_ =	strace s5  }
0x97: {  	s5 =	sld [smem:$0x3FFD];
	_ =	sdelay $0x3  }
0x98: {  	_ =	strace s5  }
0x99: {  	_ =	strace $0x8FFFFFFF  }
0x9a: {  	s19 =	sld [smem:$0x3FDB];
	_ =	sdelay $0x1  }
0x9b: {  	s6 =	simm.s32 $_scs_section_size  }
0x9c: {  	s7 =	simm.s32 $_size__tile_overlayer_lowered;
	s8 =	simm.s32 $_tile_overlayer_lowered  }
0x9d: {  	s22 =	simm.s32 $0x1BFF;
	s21 =	sshll.u32 s8, $0x1;
	s5 =	sadd.s32 s6, s19  }
0x9e: {  	s9 =	simm.s32 $0x0;
	s20 =	sshll.u32 s7, $0x1;
	s7 =	sadd.s32 s21, s5  }
0x9f: {  	[timem:s9], [sflag:s22] =	dma.local [hbm:s7], s20  }
0xa0: {  	_ =	swait.ge [sflag:s22], s20  }
0xa1: {  	s6 =	ssub.s32 $0x0, s20;
	[sflag:s22] =	ssyncset.done $0x0  }
0xa2: {  	[sflag:s22] =	ssyncadd.s32 s6;
	_ =	sdelay $0x1  }
0xa3: {  	s23 =	simm.s32 $0x1B8B  }
0xa4: {  	_ =	swait.ge [sflag:s23], $0x1  }
0xa5: {  	[sflag:s23] =	ssyncset.done $0x0  }
0xa6: {  	s25 =	simm.s32 $0x1B8E;
	s24 =	sld [smem:$0x3FFE];
	[sflag:s23] =	ssyncadd.s32 $0xFFFFFFFF  }
0xa7: {  	s26 =	simm.s32 $execute0_lowered;
	[smem:$0x3FD2] =	sst s25  }
0xa8: {  	s7 =	sshll.u32 s26, $0x1;
	_ =	strace $0x80000046;
	[dreg:$0x1] =	wrdreg $0xFFFFFFFF  }
0xa9: {  	s28 =	simm.s32 $_size_execute0_lowered;
	s5 =	sadd.s32 s5, s7;
	[dreg:$0x0] =	wrdreg $0x0  }
0xaa: {  	s7 =	sshll.u32 s28, $0x1;
	[dreg:$0x2] =	wrdreg s5  }
0xab: {  	[dreg:$0x3] =	wrdreg s7  }
0xac: {  	[dreg:$0x4] =	wrdreg $0xC0  }
0xad: {  	_ =	task [dreg:s9], $0x5FFFF  }
0xae: {  	[dreg:$0x1] =	wrdreg $0xFFFFFFFF  }
0xaf: {  	[dreg:$0x0] =	wrdreg $0x60  }
0xb0: {  	[dreg:$0x2] =	wrdreg s2  }
0xb1: {  	[dreg:$0x3] =	wrdreg s18  }
0xb2: {  	[dreg:$0x4] =	wrdreg s24  }
0xb3: {  	[dreg:$0x5] =	wrdreg s4  }
0xb4: {  	[dreg:$0x6] =	wrdreg $0x9  }
0xb5: {  	_ =	task.clear_ibuf [dreg:s9], $0x7FFFF;
	_ =	strace $0x90000046  }
0xb6: {  	s29 =	simm.s32 $0x9;
	_ =	strace $0x80000048  }
0xb7: {  	_ =	swait.ge [sflag:s29], $0x1  }
0xb8: {  	[sflag:s29] =	ssyncadd.s32 $0xFFFFFFFF  }
0xb9: {  	_ =	strace $0x90000048  }
0xba: {  	_ =	sfence  }
0xbb: {  	s30 =	sld [smem:$0x0];
	_ =	sdelay $0x2  }
0xbc: {  	s31 =	sshll.u32 s1, $0xD;
	s1 =	sshrl.u32 s1, $0x2  }
0xbd: {  	s3 =	sand.u32 $0x4000, s31;
	s1 =	sadd.s32 s1, s30  }
0xbe: {  	s0 =	sor.u32 s3, s0;
	s1 =	sshll.u32 s1, $0x11  }
0xbf: {  	s0 =	sor.u32 s1, s0  }
0xc0: {  	s0 =	sadd.s32 $0x8F2B, s0  }
0xc1: {  	[sflag:s0] =	ssyncadd.remote.s32 $0x1  }
0xc2: {  	_ =	sfence.sel $0xFFFF  }
0xc3: {  	[dreg:$0x0] =	wrdreg $0xFFFFFFFF;
	(pc) =	sbr.abs _section_cstart, $3  }
0xc4: {  	[dreg:$0x1] =	wrdreg $0xFFFFFFFF  }
0xc5: {  	_ =	task.clear_ibuf [dreg:s9], $0x2FFFF;
	_ =	strace $0x9FFFFFFF  }
0xc6: {  	(tm) =	ssettm $0x7FFFFFFF  }
0xc7: {  	_ =	shalt  }
tec
execute0_lowered:
.L_overlay_start_1:
0x0: {  	(tag) =	ssettag $0x1  }
0x1: {  	s3 =	rddreg [dreg:$0x0]  }
0x2: {  	s6 =	rddreg [dreg:$0x1]  }
0x3: {  	s7 =	rddreg [dreg:$0x2];
	s2 =	srdreg.scid  }
0x4: {  	s4 =	rddreg [dreg:$0x3];
	s1 =	stileid.u32;
	s20 =	sand.u32 $0x1, s2  }
0x5: {  	s2 =	simm.s32 $0x0;
	s5 =	sshll.u32 s1, $0x7;
	s8 =	sshll.u32 s20, $0x6  }
0x6: {  	[smem:$0x7FF] =	sst s2;
	s5 =	sor.u32 s8, s5  }
0x7: {  	s0 =	rddreg [dreg:$0x4];
	_ =	strace $0x80000047;
	s8 =	sadd.s32 s3, s5  }
0x8: {  	[tilespmem:s2], [sflag:$0x1] =	stream.linear.gather [hbm4b:s8+s2], $0x200, $0x38;
	[tilespmem:$0x500] =	vst v63  }
0x9: {  	s9 =	simm.s32 $0x400;
	s10 =	simm.s32 $0x2  }
0xa: {  	[tilespmem:s9], [sflag:$0x2] =	stream.linear.gather [hbm4b:s6+s2], $0x80, $0x38;
	[tilespmem:$0x500] =	vst v63  }
0xb: {  	_ =	swait.ge [sflag:s10], $0x80  }
0xc: {  	[sflag:s10] =	ssyncset.done $0x0  }
0xd: {  	s11 =	simm.s32 $0x1;
	s12 =	simm.s32 $0x480;
	[sflag:s10] =	ssyncadd.s32 $0xFFFFFF80  }
0xe: {  	[tilespmem:s12], [sflag:$0x2] =	stream.indirect.gather [hbm4b:s7+s11], $0x1, s9, s11, $0xb8;
	[tilespmem:$0x500] =	vst v63  }
0xf: {  	_ =	swait.ge [sflag:s11], $0x200  }
0x10: {  	[sflag:s11] =	ssyncset.done $0x0  }
0x11: {  	s13 =	simm.s32 $0x80;
	s3 =	simm.s32 $0x200;
	[sflag:s11] =	ssyncadd.s32 $0xFFFFFE00  }
0x12: {  	[tilespmem:s3], [sflag:$0x3] =	stream.indirect.gather [hbm4b:s7+s13], $0x1, s2, s13, $0xb8;
	[tilespmem:$0x500] =	vst v63  }
0x13: {  	s14 =	simm.s32 $0x280  }
0x14: {  	[tilespmem:s14], [sflag:$0x3] =	stream.indirect.gather [hbm4b:s7+s13], $0x1, s13, s13, $0xb8;
	[tilespmem:$0x500] =	vst v63  }
0x15: {  	s15 =	simm.s32 $0x100;
	s16 =	simm.s32 $0x300  }
0x16: {  	[tilespmem:s16], [sflag:$0x3] =	stream.indirect.gather [hbm4b:s7+s13], $0x1, s15, s13, $0xb8;
	[tilespmem:$0x500] =	vst v63  }
0x17: {  	s17 =	simm.s32 $0x180;
	s18 =	simm.s32 $0x380  }
0x18: {  	[tilespmem:s18], [sflag:$0x3] =	stream.indirect.gather [hbm4b:s7+s13], $0x1, s17, s13, $0xb8;
	[tilespmem:$0x500] =	vst v63  }
0x19: {  	_ =	swait.ge [sflag:s10], $0x1  }
0x1a: {  	[sflag:s10] =	ssyncset.done $0x0  }
0x1b: {  	s19 =	simm.s32 $0x3;
	[sflag:s10] =	ssyncadd.s32 $0xFFFFFFFF  }
0x1c: {  	v0 =	vld.msk [tilespmem:$0x480 ss:$0x0], $0xffff;
	_ =	swait.ge [sflag:s19], $0x80  }
0x1d: {  	[sflag:s19] =	ssyncset.done $0x0  }
0x1e: {  	[sflag:s19] =	ssyncadd.s32 $0xFFFFFF80  }
0x1f: {  	_ =	swait.ge [sflag:s19], $0x80  }
0x20: {  	[sflag:s19] =	ssyncset.done $0x0  }
0x21: {  	[sflag:s19] =	ssyncadd.s32 $0xFFFFFF80  }
0x22: {  	_ =	swait.ge [sflag:s19], $0x80  }
0x23: {  	[sflag:s19] =	ssyncset.done $0x0  }
0x24: {  	[sflag:s19] =	ssyncadd.s32 $0xFFFFFF80  }
0x25: {  	_ =	swait.ge [sflag:s19], $0x80  }
0x26: {  	[sflag:s19] =	ssyncset.done $0x0  }
0x27: {  	[sflag:s19] =	ssyncadd.s32 $0xFFFFFF80  }
0x28: {  	v1 =	vld [tilespmem:$0x3F0]  }
0x29: {  	v2 =	vld [tilespmem:$0x3D0]  }
0x2a: {  	v3 =	vld [tilespmem:$0x240]  }
0x2b: {  	v4 =	vld [tilespmem:$0x230]  }
0x2c: {  	v5 =	vld [tilespmem:$0x210]  }
0x2d: {  	v6 =	vld [tilespmem:$0x220]  }
0x2e: {  	v7 =	vld [tilespmem:$0x3E0]  }
0x2f: {  	v11 =	vld [tilespmem:$0x260]  }
0x30: {  	v8 =	vld [tilespmem:$0x200]  }
0x31: {  	v12 =	vld [tilespmem:$0x280];
	v1 =	vsub.f32 v1, v0  }
0x32: {  	v10 =	vld [tilespmem:$0x250];
	v2 =	vsub.f32 v2, v0;
	v5 =	vsub.f32 v5, v0  }
0x33: {  	v3 =	vsub.f32 v3, v0;
	v9 =	vmul.f32 $6.931471820e-01, v1;
	v1 =	vsub.f32 v6, v0;
	v6 =	vld [tilespmem:$0x270]  }
0x34: {  	v17 =	vld [tilespmem:$0x2E0];
	v11 =	vsub.f32 v11, v0;
	v2 =	vmul.f32 $6.931471820e-01, v2;
	v5 =	vmul.f32 $6.931471820e-01, v5  }
0x35: {  	v4 =	vsub.f32 v4, v0;
	v16 =	vmul.f32 $6.931471820e-01, v3;
	v9 =	vmul.f32 $1.442695020e+00, v9  }
0x36: {  	v18 =	vld [tilespmem:$0x2F0];
	v12 =	vsub.f32 v12, v0;
	v11 =	vmul.f32 $6.931471820e-01, v11;
	v13 =	vmul.f32 $1.442695020e+00, v2  }
0x37: {  	v14 =	vld [tilespmem:$0x290];
	v2 =	vsub.f32 v7, v0;
	v7 =	vsub.f32 v8, v0;
	(erf) = vpow2.f32 v9  }
0x38: {  	v8 =	vsub.f32 v10, v0;
	v10 =	vld [tilespmem:$0x2A0];
	(erf) = vpow2.f32 v13;
	v3 =	vsub.f32 v6, v0  }
0x39: {  	s20 =	ssub.s32 $0x2, s20;
	v15 =	vld [tilespmem:$0x2B0];
	v22 =	vsub.f32 v17, v0;
	v9 =	vmul.f32 $6.931471820e-01, v4;
	v4 =	vmul.f32 $6.931471820e-01, v7  }
0x3a: {  	s21 =	sshrl.u32 s20, $0x1;
	v7 =	vmul.f32 $6.931471820e-01, v8;
	v3 =	vmul.f32 $6.931471820e-01, v3  }
0x3b: {  	s20 =	ssub.s32 s20, s21;
	v17 =	vsub.f32 v18, v0;
	v12 =	vmul.f32 $6.931471820e-01, v12;
	v18 =	vmul.f32 $6.931471820e-01, v22;
	v6 =	vld [tilespmem:$0x2C0]  }
0x3c: {  	s20 =	smax.u32 s20, $0x1;
	v14 =	vsub.f32 v14, v0;
	v13 =	vld [tilespmem:$0x2D0];
	v7 =	vmul.f32 $1.442695020e+00, v7;
	v19 =	vmul.f32 $1.442695020e+00, v3  }
0x3d: {  	p0 =	sne.s32 s20, $0x1;
	v20 =	vld [tilespmem:$0x300];
	v11 =	vmul.f32 $1.442695020e+00, v11;
	v8 =	vmul.f32 $1.442695020e+00, v5;
	v5 =	vsub.f32 v10, v0  }
.Ltmp0:
0x3e: {  	v10 =	vsub.f32 v15, v0;
	v15 =	vmul.f32 $6.931471820e-01, v14;
	v14 =	vld [tilespmem:$0x320];
	(erf) = vpow2.f32 v7;
	(pc) =	sbr.rel @!p0 .LBB2_2-.Ltmp0, $4  }
0x3f: {  	v2 =	vmul.f32 $6.931471820e-01, v2;
	v3 =	vld [tilespmem:$0x310];
	(erf) = vpow2.f32 v11  }
0x40: {  	v7 =	vmul.f32 $1.442695020e+00, v12;
	v11 =	vld [tilespmem:$0x330];
	v21 =	vsub.f32 v6, v0;
	(erf) = vpow2.f32 v19;
	v19 =	vpop (erf)  }
0x41: {  	v12 =	vsub.f32 v13, v0;
	v6 =	vmul.f32 $1.442695020e+00, v15;
	v13 =	vmul.f32 $1.442695020e+00, v9;
	v15 =	vld [tilespmem:$0x340];
	[tilespmem:$0x3F0] =	vst v19;
	v23 =	vpop (erf)  }
0x42: {  	s5 =	sadd.s32 s4, s5;
	s4 =	simm.s32 $0x4;
	s20 =	sadd.s32 $0xFFFFFFFF, s20;
	v20 =	vsub.f32 v20, v0;
	v9 =	vmul.f32 $1.442695020e+00, v16;
	v16 =	vld [tilespmem:$0x350];
	v19 =	vmul.f32 $6.931471820e-01, v21;
	[tilespmem:$0x3D0] =	vst v23  }
.LBB2_1:
0x43: {  	p0 =	sne.s32 s20, $0x1;
	s20 =	sadd.s32 $0xFFFFFFFF, s20;
	v10 =	vmul.f32 $6.931471820e-01, v10;
	v21 =	vld [tilespmem:$0x360];
	(erf) = vpow2.f32 v8  }
0x44: {  	v8 =	vmul.f32 $1.442695020e+00, v19;
	v19 =	vmul.f32 $6.931471820e-01, v20;
	v14 =	vsub.f32 v14, v0;
	v20 =	vld [tilespmem:$0x370]  }
0x45: {  	v12 =	vmul.f32 $6.931471820e-01, v12;
	v17 =	vmul.f32 $6.931471820e-01, v17;
	v11 =	vsub.f32 v11, v0;
	v22 =	vld [tilespmem:$0x380]  }
0x46: {  	v19 =	vmul.f32 $1.442695020e+00, v19;
	v14 =	vmul.f32 $6.931471820e-01, v14;
	v15 =	vsub.f32 v15, v0;
	v23 =	vld [tilespmem:$0x390]  }
0x47: {  	v18 =	vmul.f32 $1.442695020e+00, v18;
	v16 =	vsub.f32 v16, v0;
	v24 =	vld [tilespmem:$0x3A0];
	(erf) = vpow2.f32 v13;
	v13 =	vpop (erf)  }
0x48: {  	v12 =	vmul.f32 $1.442695020e+00, v12;
	[tilespmem:$0x250] =	vst v13;
	v13 =	vmul.f32 $6.931471820e-01, v15;
	v15 =	vsub.f32 v21, v0;
	v21 =	vld [tilespmem:$0x3B0];
	v25 =	vpop (erf)  }
0x49: {  	v10 =	vmul.f32 $1.442695020e+00, v10;
	[tilespmem:$0x260] =	vst v25;
	v20 =	vsub.f32 v20, v0;
	v25 =	vld [tilespmem:$0x3C0];
	(erf) = vpow2.f32 v9;
	v9 =	vpop (erf)  }
0x4a: {  	v5 =	vmul.f32 $6.931471820e-01, v5;
	[tilespmem:$0x270] =	vst v9;
	v9 =	vsub.f32 v22, v0;
	(erf) = vpow2.f32 v7  }
0x4b: {  	v4 =	vmul.f32 $1.442695020e+00, v4;
	v7 =	vmul.f32 $6.931471820e-01, v11;
	v11 =	vsub.f32 v23, v0  }
0x4c: {  	v5 =	vmul.f32 $1.442695020e+00, v5;
	v16 =	vmul.f32 $6.931471820e-01, v16;
	v22 =	vsub.f32 v24, v0;
	v23 =	vpop (erf)  }
0x4d: {  	v2 =	vmul.f32 $1.442695020e+00, v2;
	[tilespmem:$0x210] =	vst v23;
	v21 =	vsub.f32 v21, v0;
	(erf) = vpow2.f32 v6  }
0x4e: {  	v1 =	vmul.f32 $6.931471820e-01, v1;
	v6 =	vmul.f32 $6.931471820e-01, v15;
	v15 =	vsub.f32 v25, v0  }
0x4f: {  	v20 =	vmul.f32 $6.931471820e-01, v20;
	v24 =	vmul.f32 $1.442695020e+00, v13  }
0x50: {  	v1 =	vmul.f32 $1.442695020e+00, v1;
	v23 =	vpop (erf);
	(erf) = vpow2.f32 v8  }
0x51: {  	v8 =	vmul.f32 $1.442695020e+00, v20;
	[tilespmem:$0x230] =	vst v23;
	(erf) = vpow2.f32 v24  }
0x52: {  	v0 =	vsub.f32 v3, v0;
	v3 =	vmul.f32 $1.442695020e+00, v16;
	v6 =	vmul.f32 $1.442695020e+00, v6;
	v13 =	vpop (erf)  }
0x53: {  	v7 =	vmul.f32 $1.442695020e+00, v7;
	[tilespmem:$0x240] =	vst v13;
	(erf) = vpow2.f32 v4;
	v4 =	vpop (erf)  }
0x54: {  	[tilespmem:$0x280] =	vst v4;
	v4 =	vmul.f32 $1.442695020e+00, v14;
	(erf) = vpow2.f32 v3  }
0x55: {  	v0 =	vmul.f32 $6.931471820e-01, v0;
	(erf) = vpow2.f32 v12  }
0x56: {  	v3 =	vmul.f32 $1.442695020e+00, v17;
	v12 =	vpop (erf);
	(erf) = vpow2.f32 v10  }
0x57: {  	v0 =	vmul.f32 $1.442695020e+00, v0;
	[tilespmem:$0x290] =	vst v12;
	(erf) = vpow2.f32 v2  }
0x58: {  	v2 =	vmul.f32 $6.931471820e-01, v21;
	(erf) = vpow2.f32 v18  }
0x59: {  	v13 =	vmul.f32 $6.931471820e-01, v22;
	v12 =	vpop (erf);
	(erf) = vpow2.f32 v19  }
0x5a: {  	v2 =	vmul.f32 $1.442695020e+00, v2;
	[tilespmem:$0x2C0] =	vst v12;
	(erf) = vpow2.f32 v5;
	v5 =	vpop (erf)  }
0x5b: {  	[tilespmem:$0x340] =	vst v5;
	v5 =	vmul.f32 $1.442695020e+00, v13;
	(erf) = vpow2.f32 v1  }
0x5c: {  	v1 =	vmul.f32 $6.931471820e-01, v11;
	v10 =	vpop (erf);
	(erf) = vpow2.f32 v2  }
0x5d: {  	v2 =	vmul.f32 $6.931471820e-01, v9;
	[tilespmem:$0x200] =	vst v10;
	v9 =	vpop (erf);
	(erf) = vpow2.f32 v8  }
0x5e: {  	[tilespmem:$0x350] =	vst v9;
	v9 =	vmul.f32 $1.442695020e+00, v1;
	v8 =	vpop (erf);
	(erf) = vpow2.f32 v5  }
0x5f: {  	[tilespmem:$0x2D0] =	vst v8;
	v8 =	vmul.f32 $1.442695020e+00, v2;
	v5 =	vpop (erf);
	(erf) = vpow2.f32 v3  }
0x60: {  	v3 =	vmul.f32 $6.931471820e-01, v15;
	[tilespmem:$0x2B0] =	vst v5;
	(erf) = vpow2.f32 v9;
	v1 =	vpop (erf)  }
0x61: {  	[tilespmem:$0x3E0] =	vst v1;
	v1 =	vpop (erf);
	(erf) = vpow2.f32 v8  }
0x62: {  	[tilespmem:$0x2E0] =	vst v1;
	v1 =	vmul.f32 $1.442695020e+00, v3;
	v2 =	vpop (erf);
	(erf) = vpow2.f32 v4  }
0x63: {  	[tilespmem:$0x300] =	vst v2;
	v2 =	vpop (erf);
	(erf) = vpow2.f32 v0  }
0x64: {  	[tilespmem:$0x2A0] =	vst v2;
	v0 =	vpop (erf);
	(erf) = vpow2.f32 v1  }
0x65: {  	[tilespmem:$0x220] =	vst v0;
	(erf) = vpow2.f32 v7;
	v0 =	vpop (erf)  }
0x66: {  	[tilespmem:$0x3B0] =	vst v0;
	(erf) = vpow2.f32 v6;
	v0 =	vpop (erf)  }
0x67: {  	[tilespmem:$0x370] =	vst v0;
	v0 =	vpop (erf)  }
0x68: {  	[tilespmem:$0x3A0] =	vst v0;
	v0 =	vpop (erf)  }
0x69: {  	[tilespmem:$0x2F0] =	vst v0;
	v0 =	vpop (erf)  }
0x6a: {  	[tilespmem:$0x390] =	vst v0;
	v0 =	vpop (erf)  }
0x6b: {  	[tilespmem:$0x380] =	vst v0;
	v0 =	vpop (erf)  }
0x6c: {  	[tilespmem:$0x320] =	vst v0;
	v0 =	vpop (erf)  }
0x6d: {  	[tilespmem:$0x310] =	vst v0;
	v0 =	vpop (erf)  }
0x6e: {  	[tilespmem:$0x3C0] =	vst v0;
	v0 =	vpop (erf)  }
0x6f: {  	[tilespmem:$0x330] =	vst v0;
	v0 =	vpop (erf)  }
0x70: {  	[tilespmem:$0x360] =	vst v0  }
0x71: {  	[hbm4b:s5+s2] =	stream.linear.scatter [tilespmem:s3], [sflag:$0x4], $0x200, $0x38;
	[tilespmem:$0x500] =	vst v63  }
0x72: {  	_ =	swait.ge [sflag:s4], $0x200  }
0x73: {  	[sflag:s4] =	ssyncset.done $0x0  }
0x74: {  	[sflag:s4] =	ssyncadd.s32 $0xFFFFFE00  }
0x75: {  	[tilespmem:s2], [sflag:$0x1] =	stream.linear.gather [hbm4b:s8+s2], $0x200, $0x38;
	[tilespmem:$0x500] =	vst v63  }
0x76: {  	_ = 	snop  }
0x77: {  	[tilespmem:s9], [sflag:$0x2] =	stream.linear.gather [hbm4b:s6+s2], $0x80, $0x38;
	[tilespmem:$0x500] =	vst v63  }
0x78: {  	_ =	swait.ge [sflag:s10], $0x80  }
0x79: {  	[sflag:s10] =	ssyncset.done $0x0  }
0x7a: {  	[sflag:s10] =	ssyncadd.s32 $0xFFFFFF80  }
0x7b: {  	[tilespmem:s12], [sflag:$0x2] =	stream.indirect.gather [hbm4b:s7+s11], $0x1, s9, s11, $0xb8;
	[tilespmem:$0x500] =	vst v63  }
0x7c: {  	_ =	swait.ge [sflag:s11], $0x200  }
0x7d: {  	[sflag:s11] =	ssyncset.done $0x0  }
0x7e: {  	[sflag:s11] =	ssyncadd.s32 $0xFFFFFE00  }
0x7f: {  	[tilespmem:s3], [sflag:$0x3] =	stream.indirect.gather [hbm4b:s7+s13], $0x1, s2, s13, $0xb8;
	[tilespmem:$0x500] =	vst v63  }
0x80: {  	_ = 	snop  }
0x81: {  	[tilespmem:s14], [sflag:$0x3] =	stream.indirect.gather [hbm4b:s7+s13], $0x1, s13, s13, $0xb8;
	[tilespmem:$0x500] =	vst v63  }
0x82: {  	_ = 	snop  }
0x83: {  	[tilespmem:s16], [sflag:$0x3] =	stream.indirect.gather [hbm4b:s7+s13], $0x1, s15, s13, $0xb8;
	[tilespmem:$0x500] =	vst v63  }
0x84: {  	_ = 	snop  }
0x85: {  	[tilespmem:s18], [sflag:$0x3] =	stream.indirect.gather [hbm4b:s7+s13], $0x1, s17, s13, $0xb8;
	[tilespmem:$0x500] =	vst v63  }
0x86: {  	_ =	swait.ge [sflag:s10], $0x1  }
0x87: {  	[sflag:s10] =	ssyncset.done $0x0  }
0x88: {  	[sflag:s10] =	ssyncadd.s32 $0xFFFFFFFF  }
0x89: {  	v0 =	vld.msk [tilespmem:$0x480 ss:$0x0], $0xffff  }
0x8a: {  	_ =	swait.ge [sflag:s19], $0x80  }
0x8b: {  	[sflag:s19] =	ssyncset.done $0x0  }
0x8c: {  	[sflag:s19] =	ssyncadd.s32 $0xFFFFFF80  }
0x8d: {  	_ =	swait.ge [sflag:s19], $0x80  }
0x8e: {  	[sflag:s19] =	ssyncset.done $0x0  }
0x8f: {  	[sflag:s19] =	ssyncadd.s32 $0xFFFFFF80  }
0x90: {  	_ =	swait.ge [sflag:s19], $0x80  }
0x91: {  	[sflag:s19] =	ssyncset.done $0x0  }
0x92: {  	[sflag:s19] =	ssyncadd.s32 $0xFFFFFF80  }
0x93: {  	_ =	swait.ge [sflag:s19], $0x80  }
0x94: {  	[sflag:s19] =	ssyncset.done $0x0  }
0x95: {  	[sflag:s19] =	ssyncadd.s32 $0xFFFFFF80  }
0x96: {  	v1 =	vld [tilespmem:$0x3F0]  }
0x97: {  	v2 =	vld [tilespmem:$0x3D0]  }
0x98: {  	v3 =	vld [tilespmem:$0x240]  }
0x99: {  	v4 =	vld [tilespmem:$0x230]  }
0x9a: {  	v5 =	vld [tilespmem:$0x210]  }
0x9b: {  	v6 =	vld [tilespmem:$0x220];
	v1 =	vsub.f32 v1, v0  }
0x9c: {  	v2 =	vsub.f32 v2, v0;
	v7 =	vld [tilespmem:$0x3E0]  }
0x9d: {  	v8 =	vld [tilespmem:$0x200];
	v9 =	vmul.f32 $6.931471820e-01, v1  }
0x9e: {  	v10 =	vld [tilespmem:$0x250]  }
0x9f: {  	v2 =	vmul.f32 $6.931471820e-01, v2;
	v11 =	vld [tilespmem:$0x260]  }
0xa0: {  	v5 =	vsub.f32 v5, v0;
	v9 =	vmul.f32 $1.442695020e+00, v9;
	v1 =	vsub.f32 v6, v0;
	v6 =	vld [tilespmem:$0x270]  }
0xa1: {  	v4 =	vsub.f32 v4, v0;
	v13 =	vmul.f32 $1.442695020e+00, v2;
	v12 =	vld [tilespmem:$0x280];
	v2 =	vsub.f32 v7, v0  }
0xa2: {  	v3 =	vsub.f32 v3, v0;
	v5 =	vmul.f32 $6.931471820e-01, v5;
	v7 =	vsub.f32 v8, v0;
	v14 =	vld [tilespmem:$0x290]  }
0xa3: {  	v8 =	vsub.f32 v10, v0;
	v10 =	vld [tilespmem:$0x2A0];
	v2 =	vmul.f32 $6.931471820e-01, v2;
	(erf) = vpow2.f32 v9  }
0xa4: {  	v9 =	vmul.f32 $6.931471820e-01, v4;
	v11 =	vsub.f32 v11, v0;
	v15 =	vld [tilespmem:$0x2B0];
	(erf) = vpow2.f32 v13  }
0xa5: {  	v16 =	vmul.f32 $6.931471820e-01, v3;
	v4 =	vmul.f32 $6.931471820e-01, v7;
	v3 =	vsub.f32 v6, v0;
	v6 =	vld [tilespmem:$0x2C0]  }
0xa6: {  	v7 =	vmul.f32 $6.931471820e-01, v8;
	v11 =	vmul.f32 $6.931471820e-01, v11;
	v12 =	vsub.f32 v12, v0;
	v13 =	vld [tilespmem:$0x2D0]  }
0xa7: {  	v8 =	vmul.f32 $1.442695020e+00, v5;
	v3 =	vmul.f32 $6.931471820e-01, v3;
	v14 =	vsub.f32 v14, v0;
	v17 =	vld [tilespmem:$0x2E0]  }
0xa8: {  	v7 =	vmul.f32 $1.442695020e+00, v7;
	v12 =	vmul.f32 $6.931471820e-01, v12;
	v5 =	vsub.f32 v10, v0;
	v18 =	vld [tilespmem:$0x2F0]  }
0xa9: {  	v11 =	vmul.f32 $1.442695020e+00, v11;
	v23 =	vmul.f32 $1.442695020e+00, v3;
	v10 =	vsub.f32 v15, v0;
	v20 =	vld [tilespmem:$0x300]  }
.Ltmp1:
0xaa: {  	v15 =	vmul.f32 $6.931471820e-01, v14;
	v21 =	vsub.f32 v6, v0;
	v3 =	vld [tilespmem:$0x310];
	(erf) = vpow2.f32 v7;
	(pc) =	sbr.rel @p0 .LBB2_1-.Ltmp1, $4  }
0xab: {  	v7 =	vmul.f32 $1.442695020e+00, v12;
	v12 =	vsub.f32 v13, v0;
	v14 =	vld [tilespmem:$0x320];
	(erf) = vpow2.f32 v11  }
0xac: {  	v6 =	vmul.f32 $1.442695020e+00, v15;
	v22 =	vsub.f32 v17, v0;
	v11 =	vld [tilespmem:$0x330];
	(erf) = vpow2.f32 v23;
	v19 =	vpop (erf)  }
0xad: {  	v13 =	vmul.f32 $1.442695020e+00, v9;
	v9 =	vmul.f32 $1.442695020e+00, v16;
	v17 =	vsub.f32 v18, v0;
	v15 =	vld [tilespmem:$0x340];
	[tilespmem:$0x3F0] =	vst v19;
	v23 =	vpop (erf)  }
0xae: {  	v19 =	vmul.f32 $6.931471820e-01, v21;
	v18 =	vmul.f32 $6.931471820e-01, v22;
	v20 =	vsub.f32 v20, v0;
	v16 =	vld [tilespmem:$0x350];
	[tilespmem:$0x3D0] =	vst v23  }
.LBB2_2:
0xaf: {  	v10 =	vmul.f32 $6.931471820e-01, v10  }
0xb0: {  	(erf) = vpow2.f32 v8;
	v12 =	vmul.f32 $6.931471820e-01, v12  }
0xb1: {  	v17 =	vmul.f32 $6.931471820e-01, v17;
	v5 =	vmul.f32 $6.931471820e-01, v5  }
0xb2: {  	v4 =	vmul.f32 $1.442695020e+00, v4;
	v2 =	vmul.f32 $1.442695020e+00, v2  }
0xb3: {  	v1 =	vmul.f32 $6.931471820e-01, v1;
	v53 =	vmul.f32 $6.931471820e-01, v20  }
0xb4: {  	v19 =	vmul.f32 $1.442695020e+00, v19;
	v18 =	vmul.f32 $1.442695020e+00, v18  }
0xb5: {  	(erf) = vpow2.f32 v13;
	v12 =	vmul.f32 $1.442695020e+00, v12  }
0xb6: {  	v10 =	vmul.f32 $1.442695020e+00, v10;
	(erf) = vpow2.f32 v9  }
0xb7: {  	v5 =	vmul.f32 $1.442695020e+00, v5;
	v1 =	vmul.f32 $1.442695020e+00, v1;
	v15 =	vsub.f32 v15, v0  }
0xb8: {  	v14 =	vsub.f32 v14, v0;
	v30 =	vmul.f32 $1.442695020e+00, v17;
	v8 =	vmul.f32 $1.442695020e+00, v53  }
0xb9: {  	(erf) = vpow2.f32 v7;
	v56 =	vsub.f32 v16, v0;
	v15 =	vmul.f32 $6.931471820e-01, v15  }
0xba: {  	v55 =	vld [tilespmem:$0x370];
	v3 =	vsub.f32 v3, v0;
	v14 =	vmul.f32 $6.931471820e-01, v14;
	(erf) = vpow2.f32 v6  }
0xbb: {  	v61 =	vld [tilespmem:$0x3B0];
	v9 =	vmul.f32 $6.931471820e-01, v56;
	v60 =	vmul.f32 $1.442695020e+00, v15  }
0xbc: {  	v22 =	vld [tilespmem:$0x390];
	v11 =	vsub.f32 v11, v0;
	v3 =	vmul.f32 $6.931471820e-01, v3;
	(erf) = vpow2.f32 v19  }
0xbd: {  	v63 =	vpop (erf);
	v9 =	vmul.f32 $1.442695020e+00, v9;
	(erf) = vpow2.f32 v60  }
0xbe: {  	v62 =	vld [tilespmem:$0x3A0];
	v57 =	vmul.f32 $6.931471820e-01, v11;
	[tilespmem:$0x250] =	vst v63;
	v19 =	vpop (erf);
	(erf) = vpow2.f32 v4  }
0xbf: {  	v13 =	vsub.f32 v55, v0;
	v24 =	vmul.f32 $1.442695020e+00, v14;
	[tilespmem:$0x260] =	vst v19;
	v20 =	vpop (erf);
	(erf) = vpow2.f32 v9  }
0xc0: {  	v26 =	vsub.f32 v61, v0;
	v3 =	vmul.f32 $1.442695020e+00, v3;
	[tilespmem:$0x270] =	vst v20;
	v23 =	vpop (erf);
	(erf) = vpow2.f32 v12  }
0xc1: {  	v25 =	vld [tilespmem:$0x380];
	v34 =	vsub.f32 v22, v0;
	v13 =	vmul.f32 $6.931471820e-01, v13;
	[tilespmem:$0x210] =	vst v23;
	v27 =	vpop (erf);
	(erf) = vpow2.f32 v10  }
0xc2: {  	v4 =	vmul.f32 $6.931471820e-01, v26;
	[tilespmem:$0x230] =	vst v27;
	v29 =	vpop (erf);
	(erf) = vpow2.f32 v2  }
0xc3: {  	v28 =	vsub.f32 v62, v0;
	v39 =	vmul.f32 $6.931471820e-01, v34;
	[tilespmem:$0x240] =	vst v29;
	v31 =	vpop (erf);
	(erf) = vpow2.f32 v18  }
0xc4: {  	v32 =	vld [tilespmem:$0x3C0];
	v4 =	vmul.f32 $1.442695020e+00, v4;
	[tilespmem:$0x280] =	vst v31;
	v33 =	vpop (erf);
	(erf) = vpow2.f32 v8  }
0xc5: {  	v54 =	vld [tilespmem:$0x360];
	v10 =	vmul.f32 $6.931471820e-01, v28;
	[tilespmem:$0x290] =	vst v33;
	v35 =	vpop (erf);
	(erf) = vpow2.f32 v5  }
0xc6: {  	v36 =	vsub.f32 v25, v0;
	v21 =	vmul.f32 $1.442695020e+00, v13;
	[tilespmem:$0x2C0] =	vst v35;
	v37 =	vpop (erf);
	(erf) = vpow2.f32 v1  }
0xc7: {  	v38 =	vmul.f32 $1.442695020e+00, v10;
	[tilespmem:$0x340] =	vst v37;
	v40 =	vpop (erf);
	(erf) = vpow2.f32 v4  }
0xc8: {  	v41 =	vmul.f32 $6.931471820e-01, v36;
	[tilespmem:$0x200] =	vst v40;
	v42 =	vpop (erf);
	(erf) = vpow2.f32 v21  }
0xc9: {  	v43 =	vsub.f32 v32, v0;
	v1 =	vmul.f32 $1.442695020e+00, v39;
	[tilespmem:$0x350] =	vst v42;
	v44 =	vpop (erf);
	(erf) = vpow2.f32 v38  }
0xca: {  	v58 =	vsub.f32 v54, v0;
	v2 =	vmul.f32 $1.442695020e+00, v41;
	[tilespmem:$0x2D0] =	vst v44;
	v45 =	vpop (erf);
	(erf) = vpow2.f32 v30  }
0xcb: {  	v0 =	vmul.f32 $6.931471820e-01, v43;
	[tilespmem:$0x2B0] =	vst v45;
	(erf) = vpow2.f32 v1;
	v46 =	vpop (erf)  }
0xcc: {  	v59 =	vmul.f32 $6.931471820e-01, v58;
	[tilespmem:$0x3E0] =	vst v46;
	v47 =	vpop (erf);
	(erf) = vpow2.f32 v2  }
0xcd: {  	v0 =	vmul.f32 $1.442695020e+00, v0;
	[tilespmem:$0x2E0] =	vst v47;
	v48 =	vpop (erf);
	(erf) = vpow2.f32 v24  }
0xce: {  	v49 =	vmul.f32 $1.442695020e+00, v57;
	[tilespmem:$0x300] =	vst v48;
	v50 =	vpop (erf);
	(erf) = vpow2.f32 v3  }
0xcf: {  	v51 =	vmul.f32 $1.442695020e+00, v59;
	[tilespmem:$0x2A0] =	vst v50;
	v52 =	vpop (erf);
	(erf) = vpow2.f32 v0  }
0xd0: {  	[tilespmem:$0x220] =	vst v52;
	(erf) = vpow2.f32 v49;
	v53 =	vpop (erf)  }
0xd1: {  	[tilespmem:$0x3B0] =	vst v53;
	(erf) = vpow2.f32 v51;
	v54 =	vpop (erf)  }
0xd2: {  	[tilespmem:$0x370] =	vst v54;
	v55 =	vpop (erf)  }
0xd3: {  	[tilespmem:$0x3A0] =	vst v55;
	v56 =	vpop (erf)  }
0xd4: {  	[tilespmem:$0x2F0] =	vst v56;
	v57 =	vpop (erf)  }
0xd5: {  	[tilespmem:$0x390] =	vst v57;
	v58 =	vpop (erf)  }
0xd6: {  	[tilespmem:$0x380] =	vst v58;
	v59 =	vpop (erf)  }
0xd7: {  	[tilespmem:$0x320] =	vst v59;
	v60 =	vpop (erf)  }
0xd8: {  	[tilespmem:$0x310] =	vst v60;
	v61 =	vpop (erf)  }
0xd9: {  	[tilespmem:$0x3C0] =	vst v61;
	v62 =	vpop (erf)  }
0xda: {  	[tilespmem:$0x330] =	vst v62;
	v63 =	vpop (erf)  }
0xdb: {  	[tilespmem:$0x360] =	vst v63  }
0xdc: {  	[hbm4b:s5+s2] =	stream.linear.scatter [tilespmem:s3], [sflag:$0x4], $0x200, $0x38;
	[tilespmem:$0x500] =	vst v63  }
0xdd: {  	_ =	swait.ge [sflag:s4], $0x200  }
0xde: {  	[sflag:s4] =	ssyncset.done $0x0  }
0xdf: {  	[sflag:s4] =	ssyncadd.s32 $0xFFFFFE00  }
0xe0: {  	_ =	sfence.sel $0x180000  }
0xe1: {  	[bflag:$0x0] =	sbarrier.arrive $0xFFFF  }
0xe2: {  	p0 =	sne.s32 s1, $0x0;
	_ =	strace $0x90000047  }
0xe3: {  	s0 =	sadd.s32 @!p0 $0x100000, s0;
	[bflag:$0x2] =	sbarrier.arrive $0xFFFF  }
0xe4: {  	[sflag:s0] =	ssyncadd.tile.s32 @!p0 $0x1;
	_ =	shalt  }
.Lfunc_end2:
_tile_overlayer_lowered:
.L_overlay_start_2:
0xe5: {  	(tag) =	ssettag $0x2  }
0xe6: {  	s0 =	rddreg [dreg:$0x0];
	s2 =	stileid.u32  }
0xe7: {  	s1 =	rddreg [dreg:$0x1];
	p0 =	sne.s32 s2, $0x0  }
0xe8: {  	s3 =	rddreg [dreg:$0x2];
	[bflag:$0x3] =	sbarrier.arrive $0xFFFF;
	s2 =	simm.s32 @!p0 $0x1C05  }
0xe9: {  	[timem:s3], [sflag:s2] =	dma.local @!p0 [hbm:s0], s1  }
0xea: {  	s0 =	simm.s32 @!p0 $0x5  }
0xeb: {  	_ =	swait.ge @!p0 [sflag:s0], s1  }
0xec: {  	s1 =	ssub.s32 @!p0 $0x0, s1;
	[sflag:s0] =	ssyncset.done @!p0 $0x0  }
0xed: {  	[sflag:s0] =	ssyncadd.s32 @!p0 s1  }
0xee: {  	[bflag:$0x3] =	sbarrier.arrive $0xFFFF  }
0xef: {  	_ =	shalt  }

</sc_bundles>
